<compile_context>
chip_gen: v7x
topology: tpu7x:2x2x1
jax: 0.10.2.dev20260603
libtpu: 0.0.44.dev20260713+nightly
codegen_flags: <defaults>
</compile_context>

<pallas_src>
import functools

import jax
import jax.numpy as jnp
from jax import lax
from jax.experimental import pallas as pl
from jax.experimental.pallas import tpu as pltpu
from jax.experimental.pallas import tpu_sc as plsc

_TOKENS = 8192
_DIM = 2048
_NE = 64
_NG = 8
_TK = 8
_SCALE = 2.5
_NEG = float("-inf")
_NC = 2
_NS = 16

_SORT8 = [(0, 1), (2, 3), (4, 5), (6, 7), (0, 2), (1, 3), (4, 6), (5, 7),
          (1, 2), (5, 6), (0, 4), (1, 5), (2, 6), (3, 7), (2, 4), (3, 5),
          (1, 2), (3, 4), (5, 6)]



def _dense_body(x_ref, wt_ref, b_ref, rb_ref, s_ref):
    logits = jnp.dot(x_ref[...], wt_ref[...],
                     preferred_element_type=jnp.float32)
    sig = jax.nn.sigmoid(logits + b_ref[...])
    s = sig / jnp.sum(sig, axis=-1, keepdims=True) + rb_ref[...]
    gm = [jnp.max(s[:, 8 * g:8 * (g + 1)], axis=1, keepdims=True)
          for g in range(_NG)]
    srt = list(gm)
    for i, j in _SORT8:
        srt[i], srt[j] = (jnp.minimum(srt[i], srt[j]),
                          jnp.maximum(srt[i], srt[j]))
    thr = srt[4]
    s_ref[...] = jnp.concatenate(
        [jnp.where(gm[g] >= thr, s[:, 8 * g:8 * (g + 1)], _NEG)
         for g in range(_NG)], axis=1)


def _dense_scores(x, wt, b, rb):
    blk = 1024
    n = x.shape[0]
    return pl.pallas_call(
        _dense_body,
        grid=(n // blk,),
        in_specs=[
            pl.BlockSpec((blk, _DIM), lambda i: (i, 0)),
            pl.BlockSpec((_DIM, _NE), lambda i: (0, 0)),
            pl.BlockSpec((1, _NE), lambda i: (0, 0)),
            pl.BlockSpec((1, _NE), lambda i: (0, 0)),
        ],
        out_specs=pl.BlockSpec((blk, _NE), lambda i: (i, 0)),
        out_shape=jax.ShapeDtypeStruct((n, _NE), jnp.float32),
        compiler_params=pltpu.CompilerParams(
            dimension_semantics=("arbitrary",)),
    )(x, wt, b, rb)



def _routing(scores):
    nw = _NC * _NS
    ntok = scores.shape[0]
    tpw = ntok // nw
    mesh = plsc.VectorSubcoreMesh(core_axis_name="c", subcore_axis_name="s")

    @functools.partial(
        pl.kernel,
        mesh=mesh,
        out_type=[jax.ShapeDtypeStruct((ntok * _TK,), jnp.float32),
                  jax.ShapeDtypeStruct((ntok * _TK,), jnp.int32)],
        scratch_types=[pltpu.VMEM((2, tpw // 2, _NE), jnp.float32),
                       pltpu.VMEM((tpw * _TK + 8,), jnp.float32),
                       pltpu.VMEM((tpw * _TK + 8,), jnp.int32),
                       pltpu.SemaphoreType.DMA,
                       pltpu.SemaphoreType.DMA],
        compiler_params=pltpu.CompilerParams(needs_layout_passes=False),
    )
    def body(scores_hbm, vals_hbm, idx_hbm, sbuf, vbuf, ibuf, sem0, sem1):
        wid = lax.axis_index("s") * _NC + lax.axis_index("c")
        base = wid * tpw
        seg = tpw // 2
        lane = lax.iota(jnp.int32, 16)
        eids = [lane + 16 * i for i in range(4)]

        def bmerge(ka, va, kb, vb):
            kr = lax.rev(kb, (0,))
            vr = lax.rev(vb, (0,))
            sel = ka >= kr
            return plsc.sort_key_val(jnp.where(sel, ka, kr),
                                     jnp.where(sel, va, vr),
                                     descending=True)

        copies = [
            pltpu.async_copy(scores_hbm.at[pl.ds(base, seg)],
                             sbuf.at[0], sem0),
            pltpu.async_copy(scores_hbm.at[pl.ds(base + seg, seg)],
                             sbuf.at[1], sem1),
        ]

        for s in range(2):
            copies[s].wait()

            def tok(g, carry, s=s):
                for u in range(4):
                    t = 4 * g + u
                    srt = [plsc.sort_key_val(sbuf[s, t, pl.ds(16 * i, 16)],
                                             eids[i], descending=True)
                           for i in range(4)]
                    kf, vf = bmerge(*bmerge(*srt[0], *srt[1]),
                                    *bmerge(*srt[2], *srt[3]))
                    o = _TK * (s * seg + 4 * g + u)
                    vbuf[pl.ds(o, 16)] = kf * _SCALE
                    ibuf[pl.ds(o, 16)] = vf
                return carry

            lax.fori_loop(0, seg // 4, tok, 0)

        pltpu.sync_copy(vbuf.at[pl.ds(0, tpw * _TK)],
                        vals_hbm.at[pl.ds(base * _TK, tpw * _TK)])
        pltpu.sync_copy(ibuf.at[pl.ds(0, tpw * _TK)],
                        idx_hbm.at[pl.ds(base * _TK, tpw * _TK)])

    return body(scores)


def kernel(x, w1_weight, w1_bias, router_bias):
    scores = _dense_scores(x, w1_weight.T, w1_bias.reshape(1, _NE),
                           router_bias.reshape(1, _NE))
    vals, ids = _routing(scores)
    return vals.reshape(_TOKENS, _TK), ids.reshape(_TOKENS, _TK)

# --- scband reference (transcript-rebuilt; emitter-appended) ---
"""Pipeline reference for scband-router-70626442215503 (READ-ONLY COPY).

The authoritative reference and input builder live on the scoring server;
editing this copy changes nothing except your own understanding.
"""

import jax, jax.numpy as jnp
import numpy as np

DIM = 2048
N_EXPERTS = 64
N_GROUPS = 8
N_LIMITED_GROUPS = 4
TOP_K = 8
ROUTE_SCALE = 2.5
N_TOKENS = 8192


def setup_inputs(seed: int = 0) -> dict:
    key = jax.random.key(seed)
    k1, k2, k3, k4 = jax.random.split(key, 4)
    x = jax.random.normal(k1, (N_TOKENS, DIM), dtype=jnp.float32)
    w1_weight = jax.random.normal(k2, (N_EXPERTS, DIM), dtype=jnp.float32) * 0.02
    w1_bias = jax.random.normal(k3, (N_EXPERTS,), dtype=jnp.float32) * 0.02
    router_bias = jax.random.normal(k4, (N_EXPERTS,), dtype=jnp.float32) * 0.02
    return {"x": x, "w1_weight": w1_weight, "w1_bias": w1_bias, "router_bias": router_bias}


def reference(x, w1_weight, w1_bias, router_bias):
    B = x.shape[0]
    # Linear projection to expert logits
    scores = x @ w1_weight.T + w1_bias
    # score_func == 'sigmoid'
    scores = jax.nn.sigmoid(scores)
    scores = scores / jnp.sum(scores, axis=-1, keepdims=True)
    # use_bias == True: add routing correction bias (in torch this is in-place,
    # so original_scores aliases the masked tensor; gathered values therefore
    # equal the masked-topk values)
    scores = scores + router_bias
    # group-limited routing
    sg = scores.reshape(B, N_GROUPS, -1)
    # bias is not None -> group score is amax over experts in group
    group_scores = jnp.max(sg, axis=-1)
    _, gidx = jax.lax.top_k(group_scores, N_LIMITED_GROUPS)
    keep = jnp.zeros((B, N_GROUPS), dtype=bool).at[jnp.arange(B)[:, None], gidx].set(True)
    sg = jnp.where(keep[:, :, None], sg, -jnp.inf)
    masked = sg.reshape(B, -1)
    values, indices = jax.lax.top_k(masked, TOP_K)
    values = values * ROUTE_SCALE
    return values.astype(x.dtype), indices

if __name__ == "__main__":
    import jax
    _d = setup_inputs()
    print(jax.jit(kernel)(*tuple(_d.values())))

</pallas_src>

<mosaic_0001>
#map = affine_map<(d0, d1) -> (0, 0)>
#map1 = affine_map<(d0, d1) -> (0)>
module attributes {stable_mosaic.version = 14 : i64} {
  func.func @body(%arg0: i32, %arg1: i32, %arg2: memref<8192x64xf32, #tpu.memory_space<hbm>>, %arg3: memref<65536xf32, #tpu.memory_space<hbm>>, %arg4: memref<65536xi32, #tpu.memory_space<hbm>>, %arg5: memref<2x128x64xf32, #tpu.memory_space<vmem>>, %arg6: memref<2056xf32, #tpu.memory_space<vmem>>, %arg7: memref<2056xi32, #tpu.memory_space<vmem>>, %arg8: memref<!tpu.dma_semaphore, #tpu.memory_space<semaphore_mem>>, %arg9: memref<!tpu.dma_semaphore, #tpu.memory_space<semaphore_mem>>) attributes {dimension_semantics = [#tpu.dimension_semantics<core_parallel>, #tpu.dimension_semantics<subcore_parallel>], iteration_bounds = array<i64: 2, 16>, scalar_prefetch = 0 : i64, scratch_operands = 5 : i64, tpu.core_type = #tpu.core_type<sc_vector_subcore>, window_params = [{transform_indices = #map}, {transform_indices = #map1}, {transform_indices = #map1}]} {
    %mul3A = arith.constant 2 : i32
    %mul3A_0 = arith.muli %arg1, %mul3A : i32
    %add3A = arith.addi %mul3A_0, %arg0 : i32
    %mul3A_1 = arith.constant 256 : i32
    %mul3A_2 = arith.muli %add3A, %mul3A_1 : i32
    %iota3A = tpu.iota {dimensions = array<i32: 0>} : vector<16xi32>
    %add3A_3 = arith.constant 0 : i32
    %add3A_4 = vector.broadcast %add3A_3 : i32 to vector<16xi32>
    %add3A_5 = arith.addi %iota3A, %add3A_4 : vector<16xi32>
    %add3A_6 = arith.constant 16 : i32
    %add3A_7 = vector.broadcast %add3A_6 : i32 to vector<16xi32>
    %add3A_8 = arith.addi %iota3A, %add3A_7 : vector<16xi32>
    %add3A_9 = arith.constant 32 : i32
    %add3A_10 = vector.broadcast %add3A_9 : i32 to vector<16xi32>
    %add3A_11 = arith.addi %iota3A, %add3A_10 : vector<16xi32>
    %add3A_12 = arith.constant 48 : i32
    %add3A_13 = vector.broadcast %add3A_12 : i32 to vector<16xi32>
    %add3A_14 = arith.addi %iota3A, %add3A_13 : vector<16xi32>
    %dma_start3A = arith.constant 0 : i32
    %dma_start3A_15 = arith.constant 0 : i32
    %dma_start3A_16 = arith.constant 0 : i32
    %dma_start3A_17 = tpu.memref_slice %arg5[%dma_start3A, %dma_start3A_15, %dma_start3A_16] : memref<2x128x64xf32, #tpu.memory_space<vmem>> -> memref<1x128x64xf32, #tpu.memory_space<vmem>>
    %dma_start3A_18 = tpu.memref_squeeze %dma_start3A_17 : memref<1x128x64xf32, #tpu.memory_space<vmem>> -> memref<128x64xf32, #tpu.memory_space<vmem>>
    %dma_start3A_19 = arith.constant 0 : i32
    %dma_start3A_20 = tpu.memref_slice %arg2[%mul3A_2, %dma_start3A_19] : memref<8192x64xf32, #tpu.memory_space<hbm>> -> memref<128x64xf32, #tpu.memory_space<hbm>>
    %dma_start3A_21 = arith.constant 0 : i32
    %dma_start3A_22 = arith.constant 0 : i32
    %dma_start3A_23 = tpu.memref_slice %arg5[%dma_start3A, %dma_start3A_21, %dma_start3A_22] : memref<2x128x64xf32, #tpu.memory_space<vmem>> -> memref<1x128x64xf32, #tpu.memory_space<vmem>>
    %dma_start3A_24 = tpu.memref_squeeze %dma_start3A_23 : memref<1x128x64xf32, #tpu.memory_space<vmem>> -> memref<128x64xf32, #tpu.memory_space<vmem>>
    %dma_start3A_25 = arith.constant 0 : i32
    %dma_start3A_26 = tpu.memref_slice %arg2[%mul3A_2, %dma_start3A_25] : memref<8192x64xf32, #tpu.memory_space<hbm>> -> memref<128x64xf32, #tpu.memory_space<hbm>>
    tpu.enqueue_dma source(%dma_start3A_26 : memref<128x64xf32, #tpu.memory_space<hbm>>) target(%dma_start3A_24 : memref<128x64xf32, #tpu.memory_space<vmem>>) target_semaphore(%arg8 : memref<!tpu.dma_semaphore, #tpu.memory_space<semaphore_mem>>)
    %add3A_27 = arith.constant 128 : i32
    %add3A_28 = arith.addi %mul3A_2, %add3A_27 : i32
    %dma_start3A_29 = arith.constant 1 : i32
    %dma_start3A_30 = arith.constant 0 : i32
    %dma_start3A_31 = arith.constant 0 : i32
    %dma_start3A_32 = tpu.memref_slice %arg5[%dma_start3A_29, %dma_start3A_30, %dma_start3A_31] : memref<2x128x64xf32, #tpu.memory_space<vmem>> -> memref<1x128x64xf32, #tpu.memory_space<vmem>>
    %dma_start3A_33 = tpu.memref_squeeze %dma_start3A_32 : memref<1x128x64xf32, #tpu.memory_space<vmem>> -> memref<128x64xf32, #tpu.memory_space<vmem>>
    %dma_start3A_34 = arith.constant 0 : i32
    %dma_start3A_35 = tpu.memref_slice %arg2[%add3A_28, %dma_start3A_34] : memref<8192x64xf32, #tpu.memory_space<hbm>> -> memref<128x64xf32, #tpu.memory_space<hbm>>
    %dma_start3A_36 = arith.constant 0 : i32
    %dma_start3A_37 = arith.constant 0 : i32
    %dma_start3A_38 = tpu.memref_slice %arg5[%dma_start3A_29, %dma_start3A_36, %dma_start3A_37] : memref<2x128x64xf32, #tpu.memory_space<vmem>> -> memref<1x128x64xf32, #tpu.memory_space<vmem>>
    %dma_start3A_39 = tpu.memref_squeeze %dma_start3A_38 : memref<1x128x64xf32, #tpu.memory_space<vmem>> -> memref<128x64xf32, #tpu.memory_space<vmem>>
    %dma_start3A_40 = arith.constant 0 : i32
    %dma_start3A_41 = tpu.memref_slice %arg2[%add3A_28, %dma_start3A_40] : memref<8192x64xf32, #tpu.memory_space<hbm>> -> memref<128x64xf32, #tpu.memory_space<hbm>>
    tpu.enqueue_dma source(%dma_start3A_41 : memref<128x64xf32, #tpu.memory_space<hbm>>) target(%dma_start3A_39 : memref<128x64xf32, #tpu.memory_space<vmem>>) target_semaphore(%arg9 : memref<!tpu.dma_semaphore, #tpu.memory_space<semaphore_mem>>)
    %dma_wait3A = arith.constant 0 : i32
    %dma_wait3A_42 = arith.constant 0 : i32
    %dma_wait3A_43 = arith.constant 0 : i32
    %dma_wait3A_44 = tpu.memref_slice %arg5[%dma_wait3A, %dma_wait3A_42, %dma_wait3A_43] : memref<2x128x64xf32, #tpu.memory_space<vmem>> -> memref<1x128x64xf32, #tpu.memory_space<vmem>>
    %dma_wait3A_45 = tpu.memref_squeeze %dma_wait3A_44 : memref<1x128x64xf32, #tpu.memory_space<vmem>> -> memref<128x64xf32, #tpu.memory_space<vmem>>
    %dma_wait3A_46 = arith.constant 0 : i32
    %dma_wait3A_47 = tpu.memref_slice %arg2[%mul3A_2, %dma_wait3A_46] : memref<8192x64xf32, #tpu.memory_space<hbm>> -> memref<128x64xf32, #tpu.memory_space<hbm>>
    %dma_wait3A_48 = arith.constant 0 : i32
    %dma_wait3A_49 = arith.constant 0 : i32
    %dma_wait3A_50 = tpu.memref_slice %arg5[%dma_wait3A, %dma_wait3A_48, %dma_wait3A_49] : memref<2x128x64xf32, #tpu.memory_space<vmem>> -> memref<1x128x64xf32, #tpu.memory_space<vmem>>
    %dma_wait3A_51 = tpu.memref_squeeze %dma_wait3A_50 : memref<1x128x64xf32, #tpu.memory_space<vmem>> -> memref<128x64xf32, #tpu.memory_space<vmem>>
    %dma_wait3A_52 = arith.constant 0 : i32
    %dma_wait3A_53 = tpu.memref_slice %arg2[%mul3A_2, %dma_wait3A_52] : memref<8192x64xf32, #tpu.memory_space<hbm>> -> memref<128x64xf32, #tpu.memory_space<hbm>>
    tpu.wait_dma2 semaphore(%arg8 : memref<!tpu.dma_semaphore, #tpu.memory_space<semaphore_mem>>) src(%dma_wait3A_53 : memref<128x64xf32, #tpu.memory_space<hbm>>) dst(%dma_wait3A_51 : memref<128x64xf32, #tpu.memory_space<vmem>>)
    %scan3A = arith.constant 0 : i32
    %scan3A_54 = arith.constant 0 : i32
    %scan3A_55 = arith.constant 32 : i32
    %scan3A_56 = arith.addi %scan3A_54, %scan3A_55 : i32
    %scan3A_57 = arith.constant 1 : i32
    scf.for %scan3A_82 = %scan3A_54 to %scan3A_56 step %scan3A_57  : i32 {
      %mul3A_83 = arith.constant 4 : i32
      %mul3A_84 = arith.muli %mul3A_83, %scan3A_82 : i32
      %add3A_85 = arith.constant 0 : i32
      %add3A_86 = arith.addi %mul3A_84, %add3A_85 : i32
      %get3A = arith.constant 0 : i32
      %get3A_87 = arith.index_cast %get3A : i32 to index
      %get3A_88 = arith.index_cast %add3A_86 : i32 to index
      %get3A_89 = arith.constant 0 : index
      %get3A_90 = tpu.vector_load %arg5[%get3A_87, %get3A_88, %get3A_89] {strides = array<i32>} : memref<2x128x64xf32, #tpu.memory_space<vmem>>, vector<16xf32>,
      %masked_sort3A = arith.constant dense<true> : vector<16xi1>
      %masked_sort3A_91, %masked_sort3A_92, %masked_sort3A_93 = tpu.sort %get3A_90, %add3A_5 masked %masked_sort3A {descending = true} : (vector<16xf32>, vector<16xi32>, vector<16xi1>) -> (vector<16xi1>, vector<16xf32>, vector<16xi32>)
      %get3A_94 = arith.constant 0 : i32
      %get3A_95 = arith.index_cast %get3A_94 : i32 to index
      %get3A_96 = arith.index_cast %add3A_86 : i32 to index
      %get3A_97 = arith.constant 16 : index
      %get3A_98 = tpu.vector_load %arg5[%get3A_95, %get3A_96, %get3A_97] {strides = array<i32>} : memref<2x128x64xf32, #tpu.memory_space<vmem>>, vector<16xf32>,
      %masked_sort3A_99 = arith.constant dense<true> : vector<16xi1>
      %masked_sort3A_100, %masked_sort3A_101, %masked_sort3A_102 = tpu.sort %get3A_98, %add3A_8 masked %masked_sort3A_99 {descending = true} : (vector<16xf32>, vector<16xi32>, vector<16xi1>) -> (vector<16xi1>, vector<16xf32>, vector<16xi32>)
      %get3A_103 = arith.constant 0 : i32
      %get3A_104 = arith.index_cast %get3A_103 : i32 to index
      %get3A_105 = arith.index_cast %add3A_86 : i32 to index
      %get3A_106 = arith.constant 32 : index
      %get3A_107 = tpu.vector_load %arg5[%get3A_104, %get3A_105, %get3A_106] {strides = array<i32>} : memref<2x128x64xf32, #tpu.memory_space<vmem>>, vector<16xf32>,
      %masked_sort3A_108 = arith.constant dense<true> : vector<16xi1>
      %masked_sort3A_109, %masked_sort3A_110, %masked_sort3A_111 = tpu.sort %get3A_107, %add3A_11 masked %masked_sort3A_108 {descending = true} : (vector<16xf32>, vector<16xi32>, vector<16xi1>) -> (vector<16xi1>, vector<16xf32>, vector<16xi32>)
      %get3A_112 = arith.constant 0 : i32
      %get3A_113 = arith.index_cast %get3A_112 : i32 to index
      %get3A_114 = arith.index_cast %add3A_86 : i32 to index
      %get3A_115 = arith.constant 48 : index
      %get3A_116 = tpu.vector_load %arg5[%get3A_113, %get3A_114, %get3A_115] {strides = array<i32>} : memref<2x128x64xf32, #tpu.memory_space<vmem>>, vector<16xf32>,
      %masked_sort3A_117 = arith.constant dense<true> : vector<16xi1>
      %masked_sort3A_118, %masked_sort3A_119, %masked_sort3A_120 = tpu.sort %get3A_116, %add3A_14 masked %masked_sort3A_117 {descending = true} : (vector<16xf32>, vector<16xi32>, vector<16xi1>) -> (vector<16xi1>, vector<16xf32>, vector<16xi32>)
      %rev3A = arith.constant 15 : i32
      %rev3A_121 = vector.broadcast %rev3A : i32 to vector<16xi32>
      %rev3A_122 = tpu.iota {dimensions = array<i32: 0>} : vector<16xi32>
      %rev3A_123 = arith.subi %rev3A_121, %rev3A_122 : vector<16xi32>
      %rev3A_124 = tpu.dynamic_gather %masked_sort3A_101[%rev3A_123] in [0] : vector<16xf32>, vector<16xi32> -> vector<16xf32>
      %rev3A_125 = arith.constant 15 : i32
      %rev3A_126 = vector.broadcast %rev3A_125 : i32 to vector<16xi32>
      %rev3A_127 = tpu.iota {dimensions = array<i32: 0>} : vector<16xi32>
      %rev3A_128 = arith.subi %rev3A_126, %rev3A_127 : vector<16xi32>
      %rev3A_129 = tpu.dynamic_gather %masked_sort3A_102[%rev3A_128] in [0] : vector<16xi32>, vector<16xi32> -> vector<16xi32>
      %ge3A = arith.cmpf oge, %masked_sort3A_92, %rev3A_124 : vector<16xf32>
      %select_n3A = arith.select %ge3A, %masked_sort3A_92, %rev3A_124 : vector<16xi1>, vector<16xf32>
      %select_n3A_130 = arith.select %ge3A, %masked_sort3A_93, %rev3A_129 : vector<16xi1>, vector<16xi32>
      %masked_sort3A_131 = arith.constant dense<true> : vector<16xi1>
      %masked_sort3A_132, %masked_sort3A_133, %masked_sort3A_134 = tpu.sort %select_n3A, %select_n3A_130 masked %masked_sort3A_131 {descending = true} : (vector<16xf32>, vector<16xi32>, vector<16xi1>) -> (vector<16xi1>, vector<16xf32>, vector<16xi32>)
      %rev3A_135 = arith.constant 15 : i32
      %rev3A_136 = vector.broadcast %rev3A_135 : i32 to vector<16xi32>
      %rev3A_137 = tpu.iota {dimensions = array<i32: 0>} : vector<16xi32>
      %rev3A_138 = arith.subi %rev3A_136, %rev3A_137 : vector<16xi32>
      %rev3A_139 = tpu.dynamic_gather %masked_sort3A_119[%rev3A_138] in [0] : vector<16xf32>, vector<16xi32> -> vector<16xf32>
      %rev3A_140 = arith.constant 15 : i32
      %rev3A_141 = vector.broadcast %rev3A_140 : i32 to vector<16xi32>
      %rev3A_142 = tpu.iota {dimensions = array<i32: 0>} : vector<16xi32>
      %rev3A_143 = arith.subi %rev3A_141, %rev3A_142 : vector<16xi32>
      %rev3A_144 = tpu.dynamic_gather %masked_sort3A_120[%rev3A_143] in [0] : vector<16xi32>, vector<16xi32> -> vector<16xi32>
      %ge3A_145 = arith.cmpf oge, %masked_sort3A_110, %rev3A_139 : vector<16xf32>
      %select_n3A_146 = arith.select %ge3A_145, %masked_sort3A_110, %rev3A_139 : vector<16xi1>, vector<16xf32>
      %select_n3A_147 = arith.select %ge3A_145, %masked_sort3A_111, %rev3A_144 : vector<16xi1>, vector<16xi32>
      %masked_sort3A_148 = arith.constant dense<true> : vector<16xi1>
      %masked_sort3A_149, %masked_sort3A_150, %masked_sort3A_151 = tpu.sort %select_n3A_146, %select_n3A_147 masked %masked_sort3A_148 {descending = true} : (vector<16xf32>, vector<16xi32>, vector<16xi1>) -> (vector<16xi1>, vector<16xf32>, vector<16xi32>)
      %rev3A_152 = arith.constant 15 : i32
      %rev3A_153 = vector.broadcast %rev3A_152 : i32 to vector<16xi32>
      %rev3A_154 = tpu.iota {dimensions = array<i32: 0>} : vector<16xi32>
      %rev3A_155 = arith.subi %rev3A_153, %rev3A_154 : vector<16xi32>
      %rev3A_156 = tpu.dynamic_gather %masked_sort3A_150[%rev3A_155] in [0] : vector<16xf32>, vector<16xi32> -> vector<16xf32>
      %rev3A_157 = arith.constant 15 : i32
      %rev3A_158 = vector.broadcast %rev3A_157 : i32 to vector<16xi32>
      %rev3A_159 = tpu.iota {dimensions = array<i32: 0>} : vector<16xi32>
      %rev3A_160 = arith.subi %rev3A_158, %rev3A_159 : vector<16xi32>
      %rev3A_161 = tpu.dynamic_gather %masked_sort3A_151[%rev3A_160] in [0] : vector<16xi32>, vector<16xi32> -> vector<16xi32>
      %ge3A_162 = arith.cmpf oge, %masked_sort3A_133, %rev3A_156 : vector<16xf32>
      %select_n3A_163 = arith.select %ge3A_162, %masked_sort3A_133, %rev3A_156 : vector<16xi1>, vector<16xf32>
      %select_n3A_164 = arith.select %ge3A_162, %masked_sort3A_134, %rev3A_161 : vector<16xi1>, vector<16xi32>
      %masked_sort3A_165 = arith.constant dense<true> : vector<16xi1>
      %masked_sort3A_166, %masked_sort3A_167, %masked_sort3A_168 = tpu.sort %select_n3A_163, %select_n3A_164 masked %masked_sort3A_165 {descending = true} : (vector<16xf32>, vector<16xi32>, vector<16xi1>) -> (vector<16xi1>, vector<16xf32>, vector<16xi32>)
      %mul3A_169 = arith.constant 4 : i32
      %mul3A_170 = arith.muli %mul3A_169, %scan3A_82 : i32
      %add3A_171 = arith.constant 0 : i32
      %add3A_172 = arith.addi %add3A_171, %mul3A_170 : i32
      %add3A_173 = arith.constant 0 : i32
      %add3A_174 = arith.addi %add3A_172, %add3A_173 : i32
      %mul3A_175 = arith.constant 8 : i32
      %mul3A_176 = arith.muli %mul3A_175, %add3A_174 : i32
      %mul3A_177 = arith.constant 2.500000e+00 : f32
      %mul3A_178 = vector.broadcast %mul3A_177 : f32 to vector<16xf32>
      %mul3A_179 = arith.mulf %masked_sort3A_167, %mul3A_178 : vector<16xf32>
      %swap3A = arith.index_cast %mul3A_176 : i32 to index
      %swap3A_180 = tpu.vector_load %arg6[%swap3A] {strides = array<i32>} : memref<2056xf32, #tpu.memory_space<vmem>>, vector<16xf32>,
      tpu.vector_store %arg6[%swap3A], %mul3A_179 {strides = array<i32>} : memref<2056xf32, #tpu.memory_space<vmem>>, vector<16xf32>,
      %swap3A_181 = arith.index_cast %mul3A_176 : i32 to index
      %swap3A_182 = tpu.vector_load %arg7[%swap3A_181] {strides = array<i32>} : memref<2056xi32, #tpu.memory_space<vmem>>, vector<16xi32>,
      tpu.vector_store %arg7[%swap3A_181], %masked_sort3A_168 {strides = array<i32>} : memref<2056xi32, #tpu.memory_space<vmem>>, vector<16xi32>,
      %mul3A_183 = arith.constant 4 : i32
      %mul3A_184 = arith.muli %mul3A_183, %scan3A_82 : i32
      %add3A_185 = arith.constant 1 : i32
      %add3A_186 = arith.addi %mul3A_184, %add3A_185 : i32
      %get3A_187 = arith.constant 0 : i32
      %get3A_188 = arith.index_cast %get3A_187 : i32 to index
      %get3A_189 = arith.index_cast %add3A_186 : i32 to index
      %get3A_190 = arith.constant 0 : index
      %get3A_191 = tpu.vector_load %arg5[%get3A_188, %get3A_189, %get3A_190] {strides = array<i32>} : memref<2x128x64xf32, #tpu.memory_space<vmem>>, vector<16xf32>,
      %masked_sort3A_192 = arith.constant dense<true> : vector<16xi1>
      %masked_sort3A_193, %masked_sort3A_194, %masked_sort3A_195 = tpu.sort %get3A_191, %add3A_5 masked %masked_sort3A_192 {descending = true} : (vector<16xf32>, vector<16xi32>, vector<16xi1>) -> (vector<16xi1>, vector<16xf32>, vector<16xi32>)
      %get3A_196 = arith.constant 0 : i32
      %get3A_197 = arith.index_cast %get3A_196 : i32 to index
      %get3A_198 = arith.index_cast %add3A_186 : i32 to index
      %get3A_199 = arith.constant 16 : index
      %get3A_200 = tpu.vector_load %arg5[%get3A_197, %get3A_198, %get3A_199] {strides = array<i32>} : memref<2x128x64xf32, #tpu.memory_space<vmem>>, vector<16xf32>,
      %masked_sort3A_201 = arith.constant dense<true> : vector<16xi1>
      %masked_sort3A_202, %masked_sort3A_203, %masked_sort3A_204 = tpu.sort %get3A_200, %add3A_8 masked %masked_sort3A_201 {descending = true} : (vector<16xf32>, vector<16xi32>, vector<16xi1>) -> (vector<16xi1>, vector<16xf32>, vector<16xi32>)
      %get3A_205 = arith.constant 0 : i32
      %get3A_206 = arith.index_cast %get3A_205 : i32 to index
      %get3A_207 = arith.index_cast %add3A_186 : i32 to index
      %get3A_208 = arith.constant 32 : index
      %get3A_209 = tpu.vector_load %arg5[%get3A_206, %get3A_207, %get3A_208] {strides = array<i32>} : memref<2x128x64xf32, #tpu.memory_space<vmem>>, vector<16xf32>,
      %masked_sort3A_210 = arith.constant dense<true> : vector<16xi1>
      %masked_sort3A_211, %masked_sort3A_212, %masked_sort3A_213 = tpu.sort %get3A_209, %add3A_11 masked %masked_sort3A_210 {descending = true} : (vector<16xf32>, vector<16xi32>, vector<16xi1>) -> (vector<16xi1>, vector<16xf32>, vector<16xi32>)
      %get3A_214 = arith.constant 0 : i32
      %get3A_215 = arith.index_cast %get3A_214 : i32 to index
      %get3A_216 = arith.index_cast %add3A_186 : i32 to index
      %get3A_217 = arith.constant 48 : index
      %get3A_218 = tpu.vector_load %arg5[%get3A_215, %get3A_216, %get3A_217] {strides = array<i32>} : memref<2x128x64xf32, #tpu.memory_space<vmem>>, vector<16xf32>,
      %masked_sort3A_219 = arith.constant dense<true> : vector<16xi1>
      %masked_sort3A_220, %masked_sort3A_221, %masked_sort3A_222 = tpu.sort %get3A_218, %add3A_14 masked %masked_sort3A_219 {descending = true} : (vector<16xf32>, vector<16xi32>, vector<16xi1>) -> (vector<16xi1>, vector<16xf32>, vector<16xi32>)
      %rev3A_223 = arith.constant 15 : i32
      %rev3A_224 = vector.broadcast %rev3A_223 : i32 to vector<16xi32>
      %rev3A_225 = tpu.iota {dimensions = array<i32: 0>} : vector<16xi32>
      %rev3A_226 = arith.subi %rev3A_224, %rev3A_225 : vector<16xi32>
      %rev3A_227 = tpu.dynamic_gather %masked_sort3A_203[%rev3A_226] in [0] : vector<16xf32>, vector<16xi32> -> vector<16xf32>
      %rev3A_228 = arith.constant 15 : i32
      %rev3A_229 = vector.broadcast %rev3A_228 : i32 to vector<16xi32>
      %rev3A_230 = tpu.iota {dimensions = array<i32: 0>} : vector<16xi32>
      %rev3A_231 = arith.subi %rev3A_229, %rev3A_230 : vector<16xi32>
      %rev3A_232 = tpu.dynamic_gather %masked_sort3A_204[%rev3A_231] in [0] : vector<16xi32>, vector<16xi32> -> vector<16xi32>
      %ge3A_233 = arith.cmpf oge, %masked_sort3A_194, %rev3A_227 : vector<16xf32>
      %select_n3A_234 = arith.select %ge3A_233, %masked_sort3A_194, %rev3A_227 : vector<16xi1>, vector<16xf32>
      %select_n3A_235 = arith.select %ge3A_233, %masked_sort3A_195, %rev3A_232 : vector<16xi1>, vector<16xi32>
      %masked_sort3A_236 = arith.constant dense<true> : vector<16xi1>
      %masked_sort3A_237, %masked_sort3A_238, %masked_sort3A_239 = tpu.sort %select_n3A_234, %select_n3A_235 masked %masked_sort3A_236 {descending = true} : (vector<16xf32>, vector<16xi32>, vector<16xi1>) -> (vector<16xi1>, vector<16xf32>, vector<16xi32>)
      %rev3A_240 = arith.constant 15 : i32
      %rev3A_241 = vector.broadcast %rev3A_240 : i32 to vector<16xi32>
      %rev3A_242 = tpu.iota {dimensions = array<i32: 0>} : vector<16xi32>
      %rev3A_243 = arith.subi %rev3A_241, %rev3A_242 : vector<16xi32>
      %rev3A_244 = tpu.dynamic_gather %masked_sort3A_221[%rev3A_243] in [0] : vector<16xf32>, vector<16xi32> -> vector<16xf32>
      %rev3A_245 = arith.constant 15 : i32
      %rev3A_246 = vector.broadcast %rev3A_245 : i32 to vector<16xi32>
      %rev3A_247 = tpu.iota {dimensions = array<i32: 0>} : vector<16xi32>
      %rev3A_248 = arith.subi %rev3A_246, %rev3A_247 : vector<16xi32>
      %rev3A_249 = tpu.dynamic_gather %masked_sort3A_222[%rev3A_248] in [0] : vector<16xi32>, vector<16xi32> -> vector<16xi32>
      %ge3A_250 = arith.cmpf oge, %masked_sort3A_212, %rev3A_244 : vector<16xf32>
      %select_n3A_251 = arith.select %ge3A_250, %masked_sort3A_212, %rev3A_244 : vector<16xi1>, vector<16xf32>
      %select_n3A_252 = arith.select %ge3A_250, %masked_sort3A_213, %rev3A_249 : vector<16xi1>, vector<16xi32>
      %masked_sort3A_253 = arith.constant dense<true> : vector<16xi1>
      %masked_sort3A_254, %masked_sort3A_255, %masked_sort3A_256 = tpu.sort %select_n3A_251, %select_n3A_252 masked %masked_sort3A_253 {descending = true} : (vector<16xf32>, vector<16xi32>, vector<16xi1>) -> (vector<16xi1>, vector<16xf32>, vector<16xi32>)
      %rev3A_257 = arith.constant 15 : i32
      %rev3A_258 = vector.broadcast %rev3A_257 : i32 to vector<16xi32>
      %rev3A_259 = tpu.iota {dimensions = array<i32: 0>} : vector<16xi32>
      %rev3A_260 = arith.subi %rev3A_258, %rev3A_259 : vector<16xi32>
      %rev3A_261 = tpu.dynamic_gather %masked_sort3A_255[%rev3A_260] in [0] : vector<16xf32>, vector<16xi32> -> vector<16xf32>
      %rev3A_262 = arith.constant 15 : i32
      %rev3A_263 = vector.broadcast %rev3A_262 : i32 to vector<16xi32>
      %rev3A_264 = tpu.iota {dimensions = array<i32: 0>} : vector<16xi32>
      %rev3A_265 = arith.subi %rev3A_263, %rev3A_264 : vector<16xi32>
      %rev3A_266 = tpu.dynamic_gather %masked_sort3A_256[%rev3A_265] in [0] : vector<16xi32>, vector<16xi32> -> vector<16xi32>
      %ge3A_267 = arith.cmpf oge, %masked_sort3A_238, %rev3A_261 : vector<16xf32>
      %select_n3A_268 = arith.select %ge3A_267, %masked_sort3A_238, %rev3A_261 : vector<16xi1>, vector<16xf32>
      %select_n3A_269 = arith.select %ge3A_267, %masked_sort3A_239, %rev3A_266 : vector<16xi1>, vector<16xi32>
      %masked_sort3A_270 = arith.constant dense<true> : vector<16xi1>
      %masked_sort3A_271, %masked_sort3A_272, %masked_sort3A_273 = tpu.sort %select_n3A_268, %select_n3A_269 masked %masked_sort3A_270 {descending = true} : (vector<16xf32>, vector<16xi32>, vector<16xi1>) -> (vector<16xi1>, vector<16xf32>, vector<16xi32>)
      %mul3A_274 = arith.constant 4 : i32
      %mul3A_275 = arith.muli %mul3A_274, %scan3A_82 : i32
      %add3A_276 = arith.constant 0 : i32
      %add3A_277 = arith.addi %add3A_276, %mul3A_275 : i32
      %add3A_278 = arith.constant 1 : i32
      %add3A_279 = arith.addi %add3A_277, %add3A_278 : i32
      %mul3A_280 = arith.constant 8 : i32
      %mul3A_281 = arith.muli %mul3A_280, %add3A_279 : i32
      %mul3A_282 = arith.constant 2.500000e+00 : f32
      %mul3A_283 = vector.broadcast %mul3A_282 : f32 to vector<16xf32>
      %mul3A_284 = arith.mulf %masked_sort3A_272, %mul3A_283 : vector<16xf32>
      %swap3A_285 = arith.index_cast %mul3A_281 : i32 to index
      %swap3A_286 = tpu.vector_load %arg6[%swap3A_285] {strides = array<i32>} : memref<2056xf32, #tpu.memory_space<vmem>>, vector<16xf32>,
      tpu.vector_store %arg6[%swap3A_285], %mul3A_284 {strides = array<i32>} : memref<2056xf32, #tpu.memory_space<vmem>>, vector<16xf32>,
      %swap3A_287 = arith.index_cast %mul3A_281 : i32 to index
      %swap3A_288 = tpu.vector_load %arg7[%swap3A_287] {strides = array<i32>} : memref<2056xi32, #tpu.memory_space<vmem>>, vector<16xi32>,
      tpu.vector_store %arg7[%swap3A_287], %masked_sort3A_273 {strides = array<i32>} : memref<2056xi32, #tpu.memory_space<vmem>>, vector<16xi32>,
      %mul3A_289 = arith.constant 4 : i32
      %mul3A_290 = arith.muli %mul3A_289, %scan3A_82 : i32
      %add3A_291 = arith.constant 2 : i32
      %add3A_292 = arith.addi %mul3A_290, %add3A_291 : i32
      %get3A_293 = arith.constant 0 : i32
      %get3A_294 = arith.index_cast %get3A_293 : i32 to index
      %get3A_295 = arith.index_cast %add3A_292 : i32 to index
      %get3A_296 = arith.constant 0 : index
      %get3A_297 = tpu.vector_load %arg5[%get3A_294, %get3A_295, %get3A_296] {strides = array<i32>} : memref<2x128x64xf32, #tpu.memory_space<vmem>>, vector<16xf32>,
      %masked_sort3A_298 = arith.constant dense<true> : vector<16xi1>
      %masked_sort3A_299, %masked_sort3A_300, %masked_sort3A_301 = tpu.sort %get3A_297, %add3A_5 masked %masked_sort3A_298 {descending = true} : (vector<16xf32>, vector<16xi32>, vector<16xi1>) -> (vector<16xi1>, vector<16xf32>, vector<16xi32>)
      %get3A_302 = arith.constant 0 : i32
      %get3A_303 = arith.index_cast %get3A_302 : i32 to index
      %get3A_304 = arith.index_cast %add3A_292 : i32 to index
      %get3A_305 = arith.constant 16 : index
      %get3A_306 = tpu.vector_load %arg5[%get3A_303, %get3A_304, %get3A_305] {strides = array<i32>} : memref<2x128x64xf32, #tpu.memory_space<vmem>>, vector<16xf32>,
      %masked_sort3A_307 = arith.constant dense<true> : vector<16xi1>
      %masked_sort3A_308, %masked_sort3A_309, %masked_sort3A_310 = tpu.sort %get3A_306, %add3A_8 masked %masked_sort3A_307 {descending = true} : (vector<16xf32>, vector<16xi32>, vector<16xi1>) -> (vector<16xi1>, vector<16xf32>, vector<16xi32>)
      %get3A_311 = arith.constant 0 : i32
      %get3A_312 = arith.index_cast %get3A_311 : i32 to index
      %get3A_313 = arith.index_cast %add3A_292 : i32 to index
      %get3A_314 = arith.constant 32 : index
      %get3A_315 = tpu.vector_load %arg5[%get3A_312, %get3A_313, %get3A_314] {strides = array<i32>} : memref<2x128x64xf32, #tpu.memory_space<vmem>>, vector<16xf32>,
      %masked_sort3A_316 = arith.constant dense<true> : vector<16xi1>
      %masked_sort3A_317, %masked_sort3A_318, %masked_sort3A_319 = tpu.sort %get3A_315, %add3A_11 masked %masked_sort3A_316 {descending = true} : (vector<16xf32>, vector<16xi32>, vector<16xi1>) -> (vector<16xi1>, vector<16xf32>, vector<16xi32>)
      %get3A_320 = arith.constant 0 : i32
      %get3A_321 = arith.index_cast %get3A_320 : i32 to index
      %get3A_322 = arith.index_cast %add3A_292 : i32 to index
      %get3A_323 = arith.constant 48 : index
      %get3A_324 = tpu.vector_load %arg5[%get3A_321, %get3A_322, %get3A_323] {strides = array<i32>} : memref<2x128x64xf32, #tpu.memory_space<vmem>>, vector<16xf32>,
      %masked_sort3A_325 = arith.constant dense<true> : vector<16xi1>
      %masked_sort3A_326, %masked_sort3A_327, %masked_sort3A_328 = tpu.sort %get3A_324, %add3A_14 masked %masked_sort3A_325 {descending = true} : (vector<16xf32>, vector<16xi32>, vector<16xi1>) -> (vector<16xi1>, vector<16xf32>, vector<16xi32>)
      %rev3A_329 = arith.constant 15 : i32
      %rev3A_330 = vector.broadcast %rev3A_329 : i32 to vector<16xi32>
      %rev3A_331 = tpu.iota {dimensions = array<i32: 0>} : vector<16xi32>
      %rev3A_332 = arith.subi %rev3A_330, %rev3A_331 : vector<16xi32>
      %rev3A_333 = tpu.dynamic_gather %masked_sort3A_309[%rev3A_332] in [0] : vector<16xf32>, vector<16xi32> -> vector<16xf32>
      %rev3A_334 = arith.constant 15 : i32
      %rev3A_335 = vector.broadcast %rev3A_334 : i32 to vector<16xi32>
      %rev3A_336 = tpu.iota {dimensions = array<i32: 0>} : vector<16xi32>
      %rev3A_337 = arith.subi %rev3A_335, %rev3A_336 : vector<16xi32>
      %rev3A_338 = tpu.dynamic_gather %masked_sort3A_310[%rev3A_337] in [0] : vector<16xi32>, vector<16xi32> -> vector<16xi32>
      %ge3A_339 = arith.cmpf oge, %masked_sort3A_300, %rev3A_333 : vector<16xf32>
      %select_n3A_340 = arith.select %ge3A_339, %masked_sort3A_300, %rev3A_333 : vector<16xi1>, vector<16xf32>
      %select_n3A_341 = arith.select %ge3A_339, %masked_sort3A_301, %rev3A_338 : vector<16xi1>, vector<16xi32>
      %masked_sort3A_342 = arith.constant dense<true> : vector<16xi1>
      %masked_sort3A_343, %masked_sort3A_344, %masked_sort3A_345 = tpu.sort %select_n3A_340, %select_n3A_341 masked %masked_sort3A_342 {descending = true} : (vector<16xf32>, vector<16xi32>, vector<16xi1>) -> (vector<16xi1>, vector<16xf32>, vector<16xi32>)
      %rev3A_346 = arith.constant 15 : i32
      %rev3A_347 = vector.broadcast %rev3A_346 : i32 to vector<16xi32>
      %rev3A_348 = tpu.iota {dimensions = array<i32: 0>} : vector<16xi32>
      %rev3A_349 = arith.subi %rev3A_347, %rev3A_348 : vector<16xi32>
      %rev3A_350 = tpu.dynamic_gather %masked_sort3A_327[%rev3A_349] in [0] : vector<16xf32>, vector<16xi32> -> vector<16xf32>
      %rev3A_351 = arith.constant 15 : i32
      %rev3A_352 = vector.broadcast %rev3A_351 : i32 to vector<16xi32>
      %rev3A_353 = tpu.iota {dimensions = array<i32: 0>} : vector<16xi32>
      %rev3A_354 = arith.subi %rev3A_352, %rev3A_353 : vector<16xi32>
      %rev3A_355 = tpu.dynamic_gather %masked_sort3A_328[%rev3A_354] in [0] : vector<16xi32>, vector<16xi32> -> vector<16xi32>
      %ge3A_356 = arith.cmpf oge, %masked_sort3A_318, %rev3A_350 : vector<16xf32>
      %select_n3A_357 = arith.select %ge3A_356, %masked_sort3A_318, %rev3A_350 : vector<16xi1>, vector<16xf32>
      %select_n3A_358 = arith.select %ge3A_356, %masked_sort3A_319, %rev3A_355 : vector<16xi1>, vector<16xi32>
      %masked_sort3A_359 = arith.constant dense<true> : vector<16xi1>
      %masked_sort3A_360, %masked_sort3A_361, %masked_sort3A_362 = tpu.sort %select_n3A_357, %select_n3A_358 masked %masked_sort3A_359 {descending = true} : (vector<16xf32>, vector<16xi32>, vector<16xi1>) -> (vector<16xi1>, vector<16xf32>, vector<16xi32>)
      %rev3A_363 = arith.constant 15 : i32
      %rev3A_364 = vector.broadcast %rev3A_363 : i32 to vector<16xi32>
      %rev3A_365 = tpu.iota {dimensions = array<i32: 0>} : vector<16xi32>
      %rev3A_366 = arith.subi %rev3A_364, %rev3A_365 : vector<16xi32>
      %rev3A_367 = tpu.dynamic_gather %masked_sort3A_361[%rev3A_366] in [0] : vector<16xf32>, vector<16xi32> -> vector<16xf32>
      %rev3A_368 = arith.constant 15 : i32
      %rev3A_369 = vector.broadcast %rev3A_368 : i32 to vector<16xi32>
      %rev3A_370 = tpu.iota {dimensions = array<i32: 0>} : vector<16xi32>
      %rev3A_371 = arith.subi %rev3A_369, %rev3A_370 : vector<16xi32>
      %rev3A_372 = tpu.dynamic_gather %masked_sort3A_362[%rev3A_371] in [0] : vector<16xi32>, vector<16xi32> -> vector<16xi32>
      %ge3A_373 = arith.cmpf oge, %masked_sort3A_344, %rev3A_367 : vector<16xf32>
      %select_n3A_374 = arith.select %ge3A_373, %masked_sort3A_344, %rev3A_367 : vector<16xi1>, vector<16xf32>
      %select_n3A_375 = arith.select %ge3A_373, %masked_sort3A_345, %rev3A_372 : vector<16xi1>, vector<16xi32>
      %masked_sort3A_376 = arith.constant dense<true> : vector<16xi1>
      %masked_sort3A_377, %masked_sort3A_378, %masked_sort3A_379 = tpu.sort %select_n3A_374, %select_n3A_375 masked %masked_sort3A_376 {descending = true} : (vector<16xf32>, vector<16xi32>, vector<16xi1>) -> (vector<16xi1>, vector<16xf32>, vector<16xi32>)
      %mul3A_380 = arith.constant 4 : i32
      %mul3A_381 = arith.muli %mul3A_380, %scan3A_82 : i32
      %add3A_382 = arith.constant 0 : i32
      %add3A_383 = arith.addi %add3A_382, %mul3A_381 : i32
      %add3A_384 = arith.constant 2 : i32
      %add3A_385 = arith.addi %add3A_383, %add3A_384 : i32
      %mul3A_386 = arith.constant 8 : i32
      %mul3A_387 = arith.muli %mul3A_386, %add3A_385 : i32
      %mul3A_388 = arith.constant 2.500000e+00 : f32
      %mul3A_389 = vector.broadcast %mul3A_388 : f32 to vector<16xf32>
      %mul3A_390 = arith.mulf %masked_sort3A_378, %mul3A_389 : vector<16xf32>
      %swap3A_391 = arith.index_cast %mul3A_387 : i32 to index
      %swap3A_392 = tpu.vector_load %arg6[%swap3A_391] {strides = array<i32>} : memref<2056xf32, #tpu.memory_space<vmem>>, vector<16xf32>,
      tpu.vector_store %arg6[%swap3A_391], %mul3A_390 {strides = array<i32>} : memref<2056xf32, #tpu.memory_space<vmem>>, vector<16xf32>,
      %swap3A_393 = arith.index_cast %mul3A_387 : i32 to index
      %swap3A_394 = tpu.vector_load %arg7[%swap3A_393] {strides = array<i32>} : memref<2056xi32, #tpu.memory_space<vmem>>, vector<16xi32>,
      tpu.vector_store %arg7[%swap3A_393], %masked_sort3A_379 {strides = array<i32>} : memref<2056xi32, #tpu.memory_space<vmem>>, vector<16xi32>,
      %mul3A_395 = arith.constant 4 : i32
      %mul3A_396 = arith.muli %mul3A_395, %scan3A_82 : i32
      %add3A_397 = arith.constant 3 : i32
      %add3A_398 = arith.addi %mul3A_396, %add3A_397 : i32
      %get3A_399 = arith.constant 0 : i32
      %get3A_400 = arith.index_cast %get3A_399 : i32 to index
      %get3A_401 = arith.index_cast %add3A_398 : i32 to index
      %get3A_402 = arith.constant 0 : index
      %get3A_403 = tpu.vector_load %arg5[%get3A_400, %get3A_401, %get3A_402] {strides = array<i32>} : memref<2x128x64xf32, #tpu.memory_space<vmem>>, vector<16xf32>,
      %masked_sort3A_404 = arith.constant dense<true> : vector<16xi1>
      %masked_sort3A_405, %masked_sort3A_406, %masked_sort3A_407 = tpu.sort %get3A_403, %add3A_5 masked %masked_sort3A_404 {descending = true} : (vector<16xf32>, vector<16xi32>, vector<16xi1>) -> (vector<16xi1>, vector<16xf32>, vector<16xi32>)
      %get3A_408 = arith.constant 0 : i32
      %get3A_409 = arith.index_cast %get3A_408 : i32 to index
      %get3A_410 = arith.index_cast %add3A_398 : i32 to index
      %get3A_411 = arith.constant 16 : index
      %get3A_412 = tpu.vector_load %arg5[%get3A_409, %get3A_410, %get3A_411] {strides = array<i32>} : memref<2x128x64xf32, #tpu.memory_space<vmem>>, vector<16xf32>,
      %masked_sort3A_413 = arith.constant dense<true> : vector<16xi1>
      %masked_sort3A_414, %masked_sort3A_415, %masked_sort3A_416 = tpu.sort %get3A_412, %add3A_8 masked %masked_sort3A_413 {descending = true} : (vector<16xf32>, vector<16xi32>, vector<16xi1>) -> (vector<16xi1>, vector<16xf32>, vector<16xi32>)
      %get3A_417 = arith.constant 0 : i32
      %get3A_418 = arith.index_cast %get3A_417 : i32 to index
      %get3A_419 = arith.index_cast %add3A_398 : i32 to index
      %get3A_420 = arith.constant 32 : index
      %get3A_421 = tpu.vector_load %arg5[%get3A_418, %get3A_419, %get3A_420] {strides = array<i32>} : memref<2x128x64xf32, #tpu.memory_space<vmem>>, vector<16xf32>,
      %masked_sort3A_422 = arith.constant dense<true> : vector<16xi1>
      %masked_sort3A_423, %masked_sort3A_424, %masked_sort3A_425 = tpu.sort %get3A_421, %add3A_11 masked %masked_sort3A_422 {descending = true} : (vector<16xf32>, vector<16xi32>, vector<16xi1>) -> (vector<16xi1>, vector<16xf32>, vector<16xi32>)
      %get3A_426 = arith.constant 0 : i32
      %get3A_427 = arith.index_cast %get3A_426 : i32 to index
      %get3A_428 = arith.index_cast %add3A_398 : i32 to index
      %get3A_429 = arith.constant 48 : index
      %get3A_430 = tpu.vector_load %arg5[%get3A_427, %get3A_428, %get3A_429] {strides = array<i32>} : memref<2x128x64xf32, #tpu.memory_space<vmem>>, vector<16xf32>,
      %masked_sort3A_431 = arith.constant dense<true> : vector<16xi1>
      %masked_sort3A_432, %masked_sort3A_433, %masked_sort3A_434 = tpu.sort %get3A_430, %add3A_14 masked %masked_sort3A_431 {descending = true} : (vector<16xf32>, vector<16xi32>, vector<16xi1>) -> (vector<16xi1>, vector<16xf32>, vector<16xi32>)
      %rev3A_435 = arith.constant 15 : i32
      %rev3A_436 = vector.broadcast %rev3A_435 : i32 to vector<16xi32>
      %rev3A_437 = tpu.iota {dimensions = array<i32: 0>} : vector<16xi32>
      %rev3A_438 = arith.subi %rev3A_436, %rev3A_437 : vector<16xi32>
      %rev3A_439 = tpu.dynamic_gather %masked_sort3A_415[%rev3A_438] in [0] : vector<16xf32>, vector<16xi32> -> vector<16xf32>
      %rev3A_440 = arith.constant 15 : i32
      %rev3A_441 = vector.broadcast %rev3A_440 : i32 to vector<16xi32>
      %rev3A_442 = tpu.iota {dimensions = array<i32: 0>} : vector<16xi32>
      %rev3A_443 = arith.subi %rev3A_441, %rev3A_442 : vector<16xi32>
      %rev3A_444 = tpu.dynamic_gather %masked_sort3A_416[%rev3A_443] in [0] : vector<16xi32>, vector<16xi32> -> vector<16xi32>
      %ge3A_445 = arith.cmpf oge, %masked_sort3A_406, %rev3A_439 : vector<16xf32>
      %select_n3A_446 = arith.select %ge3A_445, %masked_sort3A_406, %rev3A_439 : vector<16xi1>, vector<16xf32>
      %select_n3A_447 = arith.select %ge3A_445, %masked_sort3A_407, %rev3A_444 : vector<16xi1>, vector<16xi32>
      %masked_sort3A_448 = arith.constant dense<true> : vector<16xi1>
      %masked_sort3A_449, %masked_sort3A_450, %masked_sort3A_451 = tpu.sort %select_n3A_446, %select_n3A_447 masked %masked_sort3A_448 {descending = true} : (vector<16xf32>, vector<16xi32>, vector<16xi1>) -> (vector<16xi1>, vector<16xf32>, vector<16xi32>)
      %rev3A_452 = arith.constant 15 : i32
      %rev3A_453 = vector.broadcast %rev3A_452 : i32 to vector<16xi32>
      %rev3A_454 = tpu.iota {dimensions = array<i32: 0>} : vector<16xi32>
      %rev3A_455 = arith.subi %rev3A_453, %rev3A_454 : vector<16xi32>
      %rev3A_456 = tpu.dynamic_gather %masked_sort3A_433[%rev3A_455] in [0] : vector<16xf32>, vector<16xi32> -> vector<16xf32>
      %rev3A_457 = arith.constant 15 : i32
      %rev3A_458 = vector.broadcast %rev3A_457 : i32 to vector<16xi32>
      %rev3A_459 = tpu.iota {dimensions = array<i32: 0>} : vector<16xi32>
      %rev3A_460 = arith.subi %rev3A_458, %rev3A_459 : vector<16xi32>
      %rev3A_461 = tpu.dynamic_gather %masked_sort3A_434[%rev3A_460] in [0] : vector<16xi32>, vector<16xi32> -> vector<16xi32>
      %ge3A_462 = arith.cmpf oge, %masked_sort3A_424, %rev3A_456 : vector<16xf32>
      %select_n3A_463 = arith.select %ge3A_462, %masked_sort3A_424, %rev3A_456 : vector<16xi1>, vector<16xf32>
      %select_n3A_464 = arith.select %ge3A_462, %masked_sort3A_425, %rev3A_461 : vector<16xi1>, vector<16xi32>
      %masked_sort3A_465 = arith.constant dense<true> : vector<16xi1>
      %masked_sort3A_466, %masked_sort3A_467, %masked_sort3A_468 = tpu.sort %select_n3A_463, %select_n3A_464 masked %masked_sort3A_465 {descending = true} : (vector<16xf32>, vector<16xi32>, vector<16xi1>) -> (vector<16xi1>, vector<16xf32>, vector<16xi32>)
      %rev3A_469 = arith.constant 15 : i32
      %rev3A_470 = vector.broadcast %rev3A_469 : i32 to vector<16xi32>
      %rev3A_471 = tpu.iota {dimensions = array<i32: 0>} : vector<16xi32>
      %rev3A_472 = arith.subi %rev3A_470, %rev3A_471 : vector<16xi32>
      %rev3A_473 = tpu.dynamic_gather %masked_sort3A_467[%rev3A_472] in [0] : vector<16xf32>, vector<16xi32> -> vector<16xf32>
      %rev3A_474 = arith.constant 15 : i32
      %rev3A_475 = vector.broadcast %rev3A_474 : i32 to vector<16xi32>
      %rev3A_476 = tpu.iota {dimensions = array<i32: 0>} : vector<16xi32>
      %rev3A_477 = arith.subi %rev3A_475, %rev3A_476 : vector<16xi32>
      %rev3A_478 = tpu.dynamic_gather %masked_sort3A_468[%rev3A_477] in [0] : vector<16xi32>, vector<16xi32> -> vector<16xi32>
      %ge3A_479 = arith.cmpf oge, %masked_sort3A_450, %rev3A_473 : vector<16xf32>
      %select_n3A_480 = arith.select %ge3A_479, %masked_sort3A_450, %rev3A_473 : vector<16xi1>, vector<16xf32>
      %select_n3A_481 = arith.select %ge3A_479, %masked_sort3A_451, %rev3A_478 : vector<16xi1>, vector<16xi32>
      %masked_sort3A_482 = arith.constant dense<true> : vector<16xi1>
      %masked_sort3A_483, %masked_sort3A_484, %masked_sort3A_485 = tpu.sort %select_n3A_480, %select_n3A_481 masked %masked_sort3A_482 {descending = true} : (vector<16xf32>, vector<16xi32>, vector<16xi1>) -> (vector<16xi1>, vector<16xf32>, vector<16xi32>)
      %mul3A_486 = arith.constant 4 : i32
      %mul3A_487 = arith.muli %mul3A_486, %scan3A_82 : i32
      %add3A_488 = arith.constant 0 : i32
      %add3A_489 = arith.addi %add3A_488, %mul3A_487 : i32
      %add3A_490 = arith.constant 3 : i32
      %add3A_491 = arith.addi %add3A_489, %add3A_490 : i32
      %mul3A_492 = arith.constant 8 : i32
      %mul3A_493 = arith.muli %mul3A_492, %add3A_491 : i32
      %mul3A_494 = arith.constant 2.500000e+00 : f32
      %mul3A_495 = vector.broadcast %mul3A_494 : f32 to vector<16xf32>
      %mul3A_496 = arith.mulf %masked_sort3A_484, %mul3A_495 : vector<16xf32>
      %swap3A_497 = arith.index_cast %mul3A_493 : i32 to index
      %swap3A_498 = tpu.vector_load %arg6[%swap3A_497] {strides = array<i32>} : memref<2056xf32, #tpu.memory_space<vmem>>, vector<16xf32>,
      tpu.vector_store %arg6[%swap3A_497], %mul3A_496 {strides = array<i32>} : memref<2056xf32, #tpu.memory_space<vmem>>, vector<16xf32>,
      %swap3A_499 = arith.index_cast %mul3A_493 : i32 to index
      %swap3A_500 = tpu.vector_load %arg7[%swap3A_499] {strides = array<i32>} : memref<2056xi32, #tpu.memory_space<vmem>>, vector<16xi32>,
      tpu.vector_store %arg7[%swap3A_499], %masked_sort3A_485 {strides = array<i32>} : memref<2056xi32, #tpu.memory_space<vmem>>, vector<16xi32>,
    }
    %scan3A_58 = arith.constant 32 : i32
    %dma_wait3A_59 = arith.constant 1 : i32
    %dma_wait3A_60 = arith.constant 0 : i32
    %dma_wait3A_61 = arith.constant 0 : i32
    %dma_wait3A_62 = tpu.memref_slice %arg5[%dma_wait3A_59, %dma_wait3A_60, %dma_wait3A_61] : memref<2x128x64xf32, #tpu.memory_space<vmem>> -> memref<1x128x64xf32, #tpu.memory_space<vmem>>
    %dma_wait3A_63 = tpu.memref_squeeze %dma_wait3A_62 : memref<1x128x64xf32, #tpu.memory_space<vmem>> -> memref<128x64xf32, #tpu.memory_space<vmem>>
    %dma_wait3A_64 = arith.constant 0 : i32
    %dma_wait3A_65 = tpu.memref_slice %arg2[%add3A_28, %dma_wait3A_64] : memref<8192x64xf32, #tpu.memory_space<hbm>> -> memref<128x64xf32, #tpu.memory_space<hbm>>
    %dma_wait3A_66 = arith.constant 0 : i32
    %dma_wait3A_67 = arith.constant 0 : i32
    %dma_wait3A_68 = tpu.memref_slice %arg5[%dma_wait3A_59, %dma_wait3A_66, %dma_wait3A_67] : memref<2x128x64xf32, #tpu.memory_space<vmem>> -> memref<1x128x64xf32, #tpu.memory_space<vmem>>
    %dma_wait3A_69 = tpu.memref_squeeze %dma_wait3A_68 : memref<1x128x64xf32, #tpu.memory_space<vmem>> -> memref<128x64xf32, #tpu.memory_space<vmem>>
    %dma_wait3A_70 = arith.constant 0 : i32
    %dma_wait3A_71 = tpu.memref_slice %arg2[%add3A_28, %dma_wait3A_70] : memref<8192x64xf32, #tpu.memory_space<hbm>> -> memref<128x64xf32, #tpu.memory_space<hbm>>
    tpu.wait_dma2 semaphore(%arg9 : memref<!tpu.dma_semaphore, #tpu.memory_space<semaphore_mem>>) src(%dma_wait3A_71 : memref<128x64xf32, #tpu.memory_space<hbm>>) dst(%dma_wait3A_69 : memref<128x64xf32, #tpu.memory_space<vmem>>)
    %scan3A_72 = arith.constant 0 : i32
    %scan3A_73 = arith.constant 0 : i32
    %scan3A_74 = arith.constant 32 : i32
    %scan3A_75 = arith.addi %scan3A_73, %scan3A_74 : i32
    %scan3A_76 = arith.constant 1 : i32
    scf.for %scan3A_82 = %scan3A_73 to %scan3A_75 step %scan3A_76  : i32 {
      %mul3A_83 = arith.constant 4 : i32
      %mul3A_84 = arith.muli %mul3A_83, %scan3A_82 : i32
      %add3A_85 = arith.constant 0 : i32
      %add3A_86 = arith.addi %mul3A_84, %add3A_85 : i32
      %get3A = arith.constant 1 : i32
      %get3A_87 = arith.index_cast %get3A : i32 to index
      %get3A_88 = arith.index_cast %add3A_86 : i32 to index
      %get3A_89 = arith.constant 0 : index
      %get3A_90 = tpu.vector_load %arg5[%get3A_87, %get3A_88, %get3A_89] {strides = array<i32>} : memref<2x128x64xf32, #tpu.memory_space<vmem>>, vector<16xf32>,
      %masked_sort3A = arith.constant dense<true> : vector<16xi1>
      %masked_sort3A_91, %masked_sort3A_92, %masked_sort3A_93 = tpu.sort %get3A_90, %add3A_5 masked %masked_sort3A {descending = true} : (vector<16xf32>, vector<16xi32>, vector<16xi1>) -> (vector<16xi1>, vector<16xf32>, vector<16xi32>)
      %get3A_94 = arith.constant 1 : i32
      %get3A_95 = arith.index_cast %get3A_94 : i32 to index
      %get3A_96 = arith.index_cast %add3A_86 : i32 to index
      %get3A_97 = arith.constant 16 : index
      %get3A_98 = tpu.vector_load %arg5[%get3A_95, %get3A_96, %get3A_97] {strides = array<i32>} : memref<2x128x64xf32, #tpu.memory_space<vmem>>, vector<16xf32>,
      %masked_sort3A_99 = arith.constant dense<true> : vector<16xi1>
      %masked_sort3A_100, %masked_sort3A_101, %masked_sort3A_102 = tpu.sort %get3A_98, %add3A_8 masked %masked_sort3A_99 {descending = true} : (vector<16xf32>, vector<16xi32>, vector<16xi1>) -> (vector<16xi1>, vector<16xf32>, vector<16xi32>)
      %get3A_103 = arith.constant 1 : i32
      %get3A_104 = arith.index_cast %get3A_103 : i32 to index
      %get3A_105 = arith.index_cast %add3A_86 : i32 to index
      %get3A_106 = arith.constant 32 : index
      %get3A_107 = tpu.vector_load %arg5[%get3A_104, %get3A_105, %get3A_106] {strides = array<i32>} : memref<2x128x64xf32, #tpu.memory_space<vmem>>, vector<16xf32>,
      %masked_sort3A_108 = arith.constant dense<true> : vector<16xi1>
      %masked_sort3A_109, %masked_sort3A_110, %masked_sort3A_111 = tpu.sort %get3A_107, %add3A_11 masked %masked_sort3A_108 {descending = true} : (vector<16xf32>, vector<16xi32>, vector<16xi1>) -> (vector<16xi1>, vector<16xf32>, vector<16xi32>)
      %get3A_112 = arith.constant 1 : i32
      %get3A_113 = arith.index_cast %get3A_112 : i32 to index
      %get3A_114 = arith.index_cast %add3A_86 : i32 to index
      %get3A_115 = arith.constant 48 : index
      %get3A_116 = tpu.vector_load %arg5[%get3A_113, %get3A_114, %get3A_115] {strides = array<i32>} : memref<2x128x64xf32, #tpu.memory_space<vmem>>, vector<16xf32>,
      %masked_sort3A_117 = arith.constant dense<true> : vector<16xi1>
      %masked_sort3A_118, %masked_sort3A_119, %masked_sort3A_120 = tpu.sort %get3A_116, %add3A_14 masked %masked_sort3A_117 {descending = true} : (vector<16xf32>, vector<16xi32>, vector<16xi1>) -> (vector<16xi1>, vector<16xf32>, vector<16xi32>)
      %rev3A = arith.constant 15 : i32
      %rev3A_121 = vector.broadcast %rev3A : i32 to vector<16xi32>
      %rev3A_122 = tpu.iota {dimensions = array<i32: 0>} : vector<16xi32>
      %rev3A_123 = arith.subi %rev3A_121, %rev3A_122 : vector<16xi32>
      %rev3A_124 = tpu.dynamic_gather %masked_sort3A_101[%rev3A_123] in [0] : vector<16xf32>, vector<16xi32> -> vector<16xf32>
      %rev3A_125 = arith.constant 15 : i32
      %rev3A_126 = vector.broadcast %rev3A_125 : i32 to vector<16xi32>
      %rev3A_127 = tpu.iota {dimensions = array<i32: 0>} : vector<16xi32>
      %rev3A_128 = arith.subi %rev3A_126, %rev3A_127 : vector<16xi32>
      %rev3A_129 = tpu.dynamic_gather %masked_sort3A_102[%rev3A_128] in [0] : vector<16xi32>, vector<16xi32> -> vector<16xi32>
      %ge3A = arith.cmpf oge, %masked_sort3A_92, %rev3A_124 : vector<16xf32>
      %select_n3A = arith.select %ge3A, %masked_sort3A_92, %rev3A_124 : vector<16xi1>, vector<16xf32>
      %select_n3A_130 = arith.select %ge3A, %masked_sort3A_93, %rev3A_129 : vector<16xi1>, vector<16xi32>
      %masked_sort3A_131 = arith.constant dense<true> : vector<16xi1>
      %masked_sort3A_132, %masked_sort3A_133, %masked_sort3A_134 = tpu.sort %select_n3A, %select_n3A_130 masked %masked_sort3A_131 {descending = true} : (vector<16xf32>, vector<16xi32>, vector<16xi1>) -> (vector<16xi1>, vector<16xf32>, vector<16xi32>)
      %rev3A_135 = arith.constant 15 : i32
      %rev3A_136 = vector.broadcast %rev3A_135 : i32 to vector<16xi32>
      %rev3A_137 = tpu.iota {dimensions = array<i32: 0>} : vector<16xi32>
      %rev3A_138 = arith.subi %rev3A_136, %rev3A_137 : vector<16xi32>
      %rev3A_139 = tpu.dynamic_gather %masked_sort3A_119[%rev3A_138] in [0] : vector<16xf32>, vector<16xi32> -> vector<16xf32>
      %rev3A_140 = arith.constant 15 : i32
      %rev3A_141 = vector.broadcast %rev3A_140 : i32 to vector<16xi32>
      %rev3A_142 = tpu.iota {dimensions = array<i32: 0>} : vector<16xi32>
      %rev3A_143 = arith.subi %rev3A_141, %rev3A_142 : vector<16xi32>
      %rev3A_144 = tpu.dynamic_gather %masked_sort3A_120[%rev3A_143] in [0] : vector<16xi32>, vector<16xi32> -> vector<16xi32>
      %ge3A_145 = arith.cmpf oge, %masked_sort3A_110, %rev3A_139 : vector<16xf32>
      %select_n3A_146 = arith.select %ge3A_145, %masked_sort3A_110, %rev3A_139 : vector<16xi1>, vector<16xf32>
      %select_n3A_147 = arith.select %ge3A_145, %masked_sort3A_111, %rev3A_144 : vector<16xi1>, vector<16xi32>
      %masked_sort3A_148 = arith.constant dense<true> : vector<16xi1>
      %masked_sort3A_149, %masked_sort3A_150, %masked_sort3A_151 = tpu.sort %select_n3A_146, %select_n3A_147 masked %masked_sort3A_148 {descending = true} : (vector<16xf32>, vector<16xi32>, vector<16xi1>) -> (vector<16xi1>, vector<16xf32>, vector<16xi32>)
      %rev3A_152 = arith.constant 15 : i32
      %rev3A_153 = vector.broadcast %rev3A_152 : i32 to vector<16xi32>
      %rev3A_154 = tpu.iota {dimensions = array<i32: 0>} : vector<16xi32>
      %rev3A_155 = arith.subi %rev3A_153, %rev3A_154 : vector<16xi32>
      %rev3A_156 = tpu.dynamic_gather %masked_sort3A_150[%rev3A_155] in [0] : vector<16xf32>, vector<16xi32> -> vector<16xf32>
      %rev3A_157 = arith.constant 15 : i32
      %rev3A_158 = vector.broadcast %rev3A_157 : i32 to vector<16xi32>
      %rev3A_159 = tpu.iota {dimensions = array<i32: 0>} : vector<16xi32>
      %rev3A_160 = arith.subi %rev3A_158, %rev3A_159 : vector<16xi32>
      %rev3A_161 = tpu.dynamic_gather %masked_sort3A_151[%rev3A_160] in [0] : vector<16xi32>, vector<16xi32> -> vector<16xi32>
      %ge3A_162 = arith.cmpf oge, %masked_sort3A_133, %rev3A_156 : vector<16xf32>
      %select_n3A_163 = arith.select %ge3A_162, %masked_sort3A_133, %rev3A_156 : vector<16xi1>, vector<16xf32>
      %select_n3A_164 = arith.select %ge3A_162, %masked_sort3A_134, %rev3A_161 : vector<16xi1>, vector<16xi32>
      %masked_sort3A_165 = arith.constant dense<true> : vector<16xi1>
      %masked_sort3A_166, %masked_sort3A_167, %masked_sort3A_168 = tpu.sort %select_n3A_163, %select_n3A_164 masked %masked_sort3A_165 {descending = true} : (vector<16xf32>, vector<16xi32>, vector<16xi1>) -> (vector<16xi1>, vector<16xf32>, vector<16xi32>)
      %mul3A_169 = arith.constant 4 : i32
      %mul3A_170 = arith.muli %mul3A_169, %scan3A_82 : i32
      %add3A_171 = arith.constant 128 : i32
      %add3A_172 = arith.addi %add3A_171, %mul3A_170 : i32
      %add3A_173 = arith.constant 0 : i32
      %add3A_174 = arith.addi %add3A_172, %add3A_173 : i32
      %mul3A_175 = arith.constant 8 : i32
      %mul3A_176 = arith.muli %mul3A_175, %add3A_174 : i32
      %mul3A_177 = arith.constant 2.500000e+00 : f32
      %mul3A_178 = vector.broadcast %mul3A_177 : f32 to vector<16xf32>
      %mul3A_179 = arith.mulf %masked_sort3A_167, %mul3A_178 : vector<16xf32>
      %swap3A = arith.index_cast %mul3A_176 : i32 to index
      %swap3A_180 = tpu.vector_load %arg6[%swap3A] {strides = array<i32>} : memref<2056xf32, #tpu.memory_space<vmem>>, vector<16xf32>,
      tpu.vector_store %arg6[%swap3A], %mul3A_179 {strides = array<i32>} : memref<2056xf32, #tpu.memory_space<vmem>>, vector<16xf32>,
      %swap3A_181 = arith.index_cast %mul3A_176 : i32 to index
      %swap3A_182 = tpu.vector_load %arg7[%swap3A_181] {strides = array<i32>} : memref<2056xi32, #tpu.memory_space<vmem>>, vector<16xi32>,
      tpu.vector_store %arg7[%swap3A_181], %masked_sort3A_168 {strides = array<i32>} : memref<2056xi32, #tpu.memory_space<vmem>>, vector<16xi32>,
      %mul3A_183 = arith.constant 4 : i32
      %mul3A_184 = arith.muli %mul3A_183, %scan3A_82 : i32
      %add3A_185 = arith.constant 1 : i32
      %add3A_186 = arith.addi %mul3A_184, %add3A_185 : i32
      %get3A_187 = arith.constant 1 : i32
      %get3A_188 = arith.index_cast %get3A_187 : i32 to index
      %get3A_189 = arith.index_cast %add3A_186 : i32 to index
      %get3A_190 = arith.constant 0 : index
      %get3A_191 = tpu.vector_load %arg5[%get3A_188, %get3A_189, %get3A_190] {strides = array<i32>} : memref<2x128x64xf32, #tpu.memory_space<vmem>>, vector<16xf32>,
      %masked_sort3A_192 = arith.constant dense<true> : vector<16xi1>
      %masked_sort3A_193, %masked_sort3A_194, %masked_sort3A_195 = tpu.sort %get3A_191, %add3A_5 masked %masked_sort3A_192 {descending = true} : (vector<16xf32>, vector<16xi32>, vector<16xi1>) -> (vector<16xi1>, vector<16xf32>, vector<16xi32>)
      %get3A_196 = arith.constant 1 : i32
      %get3A_197 = arith.index_cast %get3A_196 : i32 to index
      %get3A_198 = arith.index_cast %add3A_186 : i32 to index
      %get3A_199 = arith.constant 16 : index
      %get3A_200 = tpu.vector_load %arg5[%get3A_197, %get3A_198, %get3A_199] {strides = array<i32>} : memref<2x128x64xf32, #tpu.memory_space<vmem>>, vector<16xf32>,
      %masked_sort3A_201 = arith.constant dense<true> : vector<16xi1>
      %masked_sort3A_202, %masked_sort3A_203, %masked_sort3A_204 = tpu.sort %get3A_200, %add3A_8 masked %masked_sort3A_201 {descending = true} : (vector<16xf32>, vector<16xi32>, vector<16xi1>) -> (vector<16xi1>, vector<16xf32>, vector<16xi32>)
      %get3A_205 = arith.constant 1 : i32
      %get3A_206 = arith.index_cast %get3A_205 : i32 to index
      %get3A_207 = arith.index_cast %add3A_186 : i32 to index
      %get3A_208 = arith.constant 32 : index
      %get3A_209 = tpu.vector_load %arg5[%get3A_206, %get3A_207, %get3A_208] {strides = array<i32>} : memref<2x128x64xf32, #tpu.memory_space<vmem>>, vector<16xf32>,
      %masked_sort3A_210 = arith.constant dense<true> : vector<16xi1>
      %masked_sort3A_211, %masked_sort3A_212, %masked_sort3A_213 = tpu.sort %get3A_209, %add3A_11 masked %masked_sort3A_210 {descending = true} : (vector<16xf32>, vector<16xi32>, vector<16xi1>) -> (vector<16xi1>, vector<16xf32>, vector<16xi32>)
      %get3A_214 = arith.constant 1 : i32
      %get3A_215 = arith.index_cast %get3A_214 : i32 to index
      %get3A_216 = arith.index_cast %add3A_186 : i32 to index
      %get3A_217 = arith.constant 48 : index
      %get3A_218 = tpu.vector_load %arg5[%get3A_215, %get3A_216, %get3A_217] {strides = array<i32>} : memref<2x128x64xf32, #tpu.memory_space<vmem>>, vector<16xf32>,
      %masked_sort3A_219 = arith.constant dense<true> : vector<16xi1>
      %masked_sort3A_220, %masked_sort3A_221, %masked_sort3A_222 = tpu.sort %get3A_218, %add3A_14 masked %masked_sort3A_219 {descending = true} : (vector<16xf32>, vector<16xi32>, vector<16xi1>) -> (vector<16xi1>, vector<16xf32>, vector<16xi32>)
      %rev3A_223 = arith.constant 15 : i32
      %rev3A_224 = vector.broadcast %rev3A_223 : i32 to vector<16xi32>
      %rev3A_225 = tpu.iota {dimensions = array<i32: 0>} : vector<16xi32>
      %rev3A_226 = arith.subi %rev3A_224, %rev3A_225 : vector<16xi32>
      %rev3A_227 = tpu.dynamic_gather %masked_sort3A_203[%rev3A_226] in [0] : vector<16xf32>, vector<16xi32> -> vector<16xf32>
      %rev3A_228 = arith.constant 15 : i32
      %rev3A_229 = vector.broadcast %rev3A_228 : i32 to vector<16xi32>
      %rev3A_230 = tpu.iota {dimensions = array<i32: 0>} : vector<16xi32>
      %rev3A_231 = arith.subi %rev3A_229, %rev3A_230 : vector<16xi32>
      %rev3A_232 = tpu.dynamic_gather %masked_sort3A_204[%rev3A_231] in [0] : vector<16xi32>, vector<16xi32> -> vector<16xi32>
      %ge3A_233 = arith.cmpf oge, %masked_sort3A_194, %rev3A_227 : vector<16xf32>
      %select_n3A_234 = arith.select %ge3A_233, %masked_sort3A_194, %rev3A_227 : vector<16xi1>, vector<16xf32>
      %select_n3A_235 = arith.select %ge3A_233, %masked_sort3A_195, %rev3A_232 : vector<16xi1>, vector<16xi32>
      %masked_sort3A_236 = arith.constant dense<true> : vector<16xi1>
      %masked_sort3A_237, %masked_sort3A_238, %masked_sort3A_239 = tpu.sort %select_n3A_234, %select_n3A_235 masked %masked_sort3A_236 {descending = true} : (vector<16xf32>, vector<16xi32>, vector<16xi1>) -> (vector<16xi1>, vector<16xf32>, vector<16xi32>)
      %rev3A_240 = arith.constant 15 : i32
      %rev3A_241 = vector.broadcast %rev3A_240 : i32 to vector<16xi32>
      %rev3A_242 = tpu.iota {dimensions = array<i32: 0>} : vector<16xi32>
      %rev3A_243 = arith.subi %rev3A_241, %rev3A_242 : vector<16xi32>
      %rev3A_244 = tpu.dynamic_gather %masked_sort3A_221[%rev3A_243] in [0] : vector<16xf32>, vector<16xi32> -> vector<16xf32>
      %rev3A_245 = arith.constant 15 : i32
      %rev3A_246 = vector.broadcast %rev3A_245 : i32 to vector<16xi32>
      %rev3A_247 = tpu.iota {dimensions = array<i32: 0>} : vector<16xi32>
      %rev3A_248 = arith.subi %rev3A_246, %rev3A_247 : vector<16xi32>
      %rev3A_249 = tpu.dynamic_gather %masked_sort3A_222[%rev3A_248] in [0] : vector<16xi32>, vector<16xi32> -> vector<16xi32>
      %ge3A_250 = arith.cmpf oge, %masked_sort3A_212, %rev3A_244 : vector<16xf32>
      %select_n3A_251 = arith.select %ge3A_250, %masked_sort3A_212, %rev3A_244 : vector<16xi1>, vector<16xf32>
      %select_n3A_252 = arith.select %ge3A_250, %masked_sort3A_213, %rev3A_249 : vector<16xi1>, vector<16xi32>
      %masked_sort3A_253 = arith.constant dense<true> : vector<16xi1>
      %masked_sort3A_254, %masked_sort3A_255, %masked_sort3A_256 = tpu.sort %select_n3A_251, %select_n3A_252 masked %masked_sort3A_253 {descending = true} : (vector<16xf32>, vector<16xi32>, vector<16xi1>) -> (vector<16xi1>, vector<16xf32>, vector<16xi32>)
      %rev3A_257 = arith.constant 15 : i32
      %rev3A_258 = vector.broadcast %rev3A_257 : i32 to vector<16xi32>
      %rev3A_259 = tpu.iota {dimensions = array<i32: 0>} : vector<16xi32>
      %rev3A_260 = arith.subi %rev3A_258, %rev3A_259 : vector<16xi32>
      %rev3A_261 = tpu.dynamic_gather %masked_sort3A_255[%rev3A_260] in [0] : vector<16xf32>, vector<16xi32> -> vector<16xf32>
      %rev3A_262 = arith.constant 15 : i32
      %rev3A_263 = vector.broadcast %rev3A_262 : i32 to vector<16xi32>
      %rev3A_264 = tpu.iota {dimensions = array<i32: 0>} : vector<16xi32>
      %rev3A_265 = arith.subi %rev3A_263, %rev3A_264 : vector<16xi32>
      %rev3A_266 = tpu.dynamic_gather %masked_sort3A_256[%rev3A_265] in [0] : vector<16xi32>, vector<16xi32> -> vector<16xi32>
      %ge3A_267 = arith.cmpf oge, %masked_sort3A_238, %rev3A_261 : vector<16xf32>
      %select_n3A_268 = arith.select %ge3A_267, %masked_sort3A_238, %rev3A_261 : vector<16xi1>, vector<16xf32>
      %select_n3A_269 = arith.select %ge3A_267, %masked_sort3A_239, %rev3A_266 : vector<16xi1>, vector<16xi32>
      %masked_sort3A_270 = arith.constant dense<true> : vector<16xi1>
      %masked_sort3A_271, %masked_sort3A_272, %masked_sort3A_273 = tpu.sort %select_n3A_268, %select_n3A_269 masked %masked_sort3A_270 {descending = true} : (vector<16xf32>, vector<16xi32>, vector<16xi1>) -> (vector<16xi1>, vector<16xf32>, vector<16xi32>)
      %mul3A_274 = arith.constant 4 : i32
      %mul3A_275 = arith.muli %mul3A_274, %scan3A_82 : i32
      %add3A_276 = arith.constant 128 : i32
      %add3A_277 = arith.addi %add3A_276, %mul3A_275 : i32
      %add3A_278 = arith.constant 1 : i32
      %add3A_279 = arith.addi %add3A_277, %add3A_278 : i32
      %mul3A_280 = arith.constant 8 : i32
      %mul3A_281 = arith.muli %mul3A_280, %add3A_279 : i32
      %mul3A_282 = arith.constant 2.500000e+00 : f32
      %mul3A_283 = vector.broadcast %mul3A_282 : f32 to vector<16xf32>
      %mul3A_284 = arith.mulf %masked_sort3A_272, %mul3A_283 : vector<16xf32>
      %swap3A_285 = arith.index_cast %mul3A_281 : i32 to index
      %swap3A_286 = tpu.vector_load %arg6[%swap3A_285] {strides = array<i32>} : memref<2056xf32, #tpu.memory_space<vmem>>, vector<16xf32>,
      tpu.vector_store %arg6[%swap3A_285], %mul3A_284 {strides = array<i32>} : memref<2056xf32, #tpu.memory_space<vmem>>, vector<16xf32>,
      %swap3A_287 = arith.index_cast %mul3A_281 : i32 to index
      %swap3A_288 = tpu.vector_load %arg7[%swap3A_287] {strides = array<i32>} : memref<2056xi32, #tpu.memory_space<vmem>>, vector<16xi32>,
      tpu.vector_store %arg7[%swap3A_287], %masked_sort3A_273 {strides = array<i32>} : memref<2056xi32, #tpu.memory_space<vmem>>, vector<16xi32>,
      %mul3A_289 = arith.constant 4 : i32
      %mul3A_290 = arith.muli %mul3A_289, %scan3A_82 : i32
      %add3A_291 = arith.constant 2 : i32
      %add3A_292 = arith.addi %mul3A_290, %add3A_291 : i32
      %get3A_293 = arith.constant 1 : i32
      %get3A_294 = arith.index_cast %get3A_293 : i32 to index
      %get3A_295 = arith.index_cast %add3A_292 : i32 to index
      %get3A_296 = arith.constant 0 : index
      %get3A_297 = tpu.vector_load %arg5[%get3A_294, %get3A_295, %get3A_296] {strides = array<i32>} : memref<2x128x64xf32, #tpu.memory_space<vmem>>, vector<16xf32>,
      %masked_sort3A_298 = arith.constant dense<true> : vector<16xi1>
      %masked_sort3A_299, %masked_sort3A_300, %masked_sort3A_301 = tpu.sort %get3A_297, %add3A_5 masked %masked_sort3A_298 {descending = true} : (vector<16xf32>, vector<16xi32>, vector<16xi1>) -> (vector<16xi1>, vector<16xf32>, vector<16xi32>)
      %get3A_302 = arith.constant 1 : i32
      %get3A_303 = arith.index_cast %get3A_302 : i32 to index
      %get3A_304 = arith.index_cast %add3A_292 : i32 to index
      %get3A_305 = arith.constant 16 : index
      %get3A_306 = tpu.vector_load %arg5[%get3A_303, %get3A_304, %get3A_305] {strides = array<i32>} : memref<2x128x64xf32, #tpu.memory_space<vmem>>, vector<16xf32>,
      %masked_sort3A_307 = arith.constant dense<true> : vector<16xi1>
      %masked_sort3A_308, %masked_sort3A_309, %masked_sort3A_310 = tpu.sort %get3A_306, %add3A_8 masked %masked_sort3A_307 {descending = true} : (vector<16xf32>, vector<16xi32>, vector<16xi1>) -> (vector<16xi1>, vector<16xf32>, vector<16xi32>)
      %get3A_311 = arith.constant 1 : i32
      %get3A_312 = arith.index_cast %get3A_311 : i32 to index
      %get3A_313 = arith.index_cast %add3A_292 : i32 to index
      %get3A_314 = arith.constant 32 : index
      %get3A_315 = tpu.vector_load %arg5[%get3A_312, %get3A_313, %get3A_314] {strides = array<i32>} : memref<2x128x64xf32, #tpu.memory_space<vmem>>, vector<16xf32>,
      %masked_sort3A_316 = arith.constant dense<true> : vector<16xi1>
      %masked_sort3A_317, %masked_sort3A_318, %masked_sort3A_319 = tpu.sort %get3A_315, %add3A_11 masked %masked_sort3A_316 {descending = true} : (vector<16xf32>, vector<16xi32>, vector<16xi1>) -> (vector<16xi1>, vector<16xf32>, vector<16xi32>)
      %get3A_320 = arith.constant 1 : i32
      %get3A_321 = arith.index_cast %get3A_320 : i32 to index
      %get3A_322 = arith.index_cast %add3A_292 : i32 to index
      %get3A_323 = arith.constant 48 : index
      %get3A_324 = tpu.vector_load %arg5[%get3A_321, %get3A_322, %get3A_323] {strides = array<i32>} : memref<2x128x64xf32, #tpu.memory_space<vmem>>, vector<16xf32>,
      %masked_sort3A_325 = arith.constant dense<true> : vector<16xi1>
      %masked_sort3A_326, %masked_sort3A_327, %masked_sort3A_328 = tpu.sort %get3A_324, %add3A_14 masked %masked_sort3A_325 {descending = true} : (vector<16xf32>, vector<16xi32>, vector<16xi1>) -> (vector<16xi1>, vector<16xf32>, vector<16xi32>)
      %rev3A_329 = arith.constant 15 : i32
      %rev3A_330 = vector.broadcast %rev3A_329 : i32 to vector<16xi32>
      %rev3A_331 = tpu.iota {dimensions = array<i32: 0>} : vector<16xi32>
      %rev3A_332 = arith.subi %rev3A_330, %rev3A_331 : vector<16xi32>
      %rev3A_333 = tpu.dynamic_gather %masked_sort3A_309[%rev3A_332] in [0] : vector<16xf32>, vector<16xi32> -> vector<16xf32>
      %rev3A_334 = arith.constant 15 : i32
      %rev3A_335 = vector.broadcast %rev3A_334 : i32 to vector<16xi32>
      %rev3A_336 = tpu.iota {dimensions = array<i32: 0>} : vector<16xi32>
      %rev3A_337 = arith.subi %rev3A_335, %rev3A_336 : vector<16xi32>
      %rev3A_338 = tpu.dynamic_gather %masked_sort3A_310[%rev3A_337] in [0] : vector<16xi32>, vector<16xi32> -> vector<16xi32>
      %ge3A_339 = arith.cmpf oge, %masked_sort3A_300, %rev3A_333 : vector<16xf32>
      %select_n3A_340 = arith.select %ge3A_339, %masked_sort3A_300, %rev3A_333 : vector<16xi1>, vector<16xf32>
      %select_n3A_341 = arith.select %ge3A_339, %masked_sort3A_301, %rev3A_338 : vector<16xi1>, vector<16xi32>
      %masked_sort3A_342 = arith.constant dense<true> : vector<16xi1>
      %masked_sort3A_343, %masked_sort3A_344, %masked_sort3A_345 = tpu.sort %select_n3A_340, %select_n3A_341 masked %masked_sort3A_342 {descending = true} : (vector<16xf32>, vector<16xi32>, vector<16xi1>) -> (vector<16xi1>, vector<16xf32>, vector<16xi32>)
      %rev3A_346 = arith.constant 15 : i32
      %rev3A_347 = vector.broadcast %rev3A_346 : i32 to vector<16xi32>
      %rev3A_348 = tpu.iota {dimensions = array<i32: 0>} : vector<16xi32>
      %rev3A_349 = arith.subi %rev3A_347, %rev3A_348 : vector<16xi32>
      %rev3A_350 = tpu.dynamic_gather %masked_sort3A_327[%rev3A_349] in [0] : vector<16xf32>, vector<16xi32> -> vector<16xf32>
      %rev3A_351 = arith.constant 15 : i32
      %rev3A_352 = vector.broadcast %rev3A_351 : i32 to vector<16xi32>
      %rev3A_353 = tpu.iota {dimensions = array<i32: 0>} : vector<16xi32>
      %rev3A_354 = arith.subi %rev3A_352, %rev3A_353 : vector<16xi32>
      %rev3A_355 = tpu.dynamic_gather %masked_sort3A_328[%rev3A_354] in [0] : vector<16xi32>, vector<16xi32> -> vector<16xi32>
      %ge3A_356 = arith.cmpf oge, %masked_sort3A_318, %rev3A_350 : vector<16xf32>
      %select_n3A_357 = arith.select %ge3A_356, %masked_sort3A_318, %rev3A_350 : vector<16xi1>, vector<16xf32>
      %select_n3A_358 = arith.select %ge3A_356, %masked_sort3A_319, %rev3A_355 : vector<16xi1>, vector<16xi32>
      %masked_sort3A_359 = arith.constant dense<true> : vector<16xi1>
      %masked_sort3A_360, %masked_sort3A_361, %masked_sort3A_362 = tpu.sort %select_n3A_357, %select_n3A_358 masked %masked_sort3A_359 {descending = true} : (vector<16xf32>, vector<16xi32>, vector<16xi1>) -> (vector<16xi1>, vector<16xf32>, vector<16xi32>)
      %rev3A_363 = arith.constant 15 : i32
      %rev3A_364 = vector.broadcast %rev3A_363 : i32 to vector<16xi32>
      %rev3A_365 = tpu.iota {dimensions = array<i32: 0>} : vector<16xi32>
      %rev3A_366 = arith.subi %rev3A_364, %rev3A_365 : vector<16xi32>
      %rev3A_367 = tpu.dynamic_gather %masked_sort3A_361[%rev3A_366] in [0] : vector<16xf32>, vector<16xi32> -> vector<16xf32>
      %rev3A_368 = arith.constant 15 : i32
      %rev3A_369 = vector.broadcast %rev3A_368 : i32 to vector<16xi32>
      %rev3A_370 = tpu.iota {dimensions = array<i32: 0>} : vector<16xi32>
      %rev3A_371 = arith.subi %rev3A_369, %rev3A_370 : vector<16xi32>
      %rev3A_372 = tpu.dynamic_gather %masked_sort3A_362[%rev3A_371] in [0] : vector<16xi32>, vector<16xi32> -> vector<16xi32>
      %ge3A_373 = arith.cmpf oge, %masked_sort3A_344, %rev3A_367 : vector<16xf32>
      %select_n3A_374 = arith.select %ge3A_373, %masked_sort3A_344, %rev3A_367 : vector<16xi1>, vector<16xf32>
      %select_n3A_375 = arith.select %ge3A_373, %masked_sort3A_345, %rev3A_372 : vector<16xi1>, vector<16xi32>
      %masked_sort3A_376 = arith.constant dense<true> : vector<16xi1>
      %masked_sort3A_377, %masked_sort3A_378, %masked_sort3A_379 = tpu.sort %select_n3A_374, %select_n3A_375 masked %masked_sort3A_376 {descending = true} : (vector<16xf32>, vector<16xi32>, vector<16xi1>) -> (vector<16xi1>, vector<16xf32>, vector<16xi32>)
      %mul3A_380 = arith.constant 4 : i32
      %mul3A_381 = arith.muli %mul3A_380, %scan3A_82 : i32
      %add3A_382 = arith.constant 128 : i32
      %add3A_383 = arith.addi %add3A_382, %mul3A_381 : i32
      %add3A_384 = arith.constant 2 : i32
      %add3A_385 = arith.addi %add3A_383, %add3A_384 : i32
      %mul3A_386 = arith.constant 8 : i32
      %mul3A_387 = arith.muli %mul3A_386, %add3A_385 : i32
      %mul3A_388 = arith.constant 2.500000e+00 : f32
      %mul3A_389 = vector.broadcast %mul3A_388 : f32 to vector<16xf32>
      %mul3A_390 = arith.mulf %masked_sort3A_378, %mul3A_389 : vector<16xf32>
      %swap3A_391 = arith.index_cast %mul3A_387 : i32 to index
      %swap3A_392 = tpu.vector_load %arg6[%swap3A_391] {strides = array<i32>} : memref<2056xf32, #tpu.memory_space<vmem>>, vector<16xf32>,
      tpu.vector_store %arg6[%swap3A_391], %mul3A_390 {strides = array<i32>} : memref<2056xf32, #tpu.memory_space<vmem>>, vector<16xf32>,
      %swap3A_393 = arith.index_cast %mul3A_387 : i32 to index
      %swap3A_394 = tpu.vector_load %arg7[%swap3A_393] {strides = array<i32>} : memref<2056xi32, #tpu.memory_space<vmem>>, vector<16xi32>,
      tpu.vector_store %arg7[%swap3A_393], %masked_sort3A_379 {strides = array<i32>} : memref<2056xi32, #tpu.memory_space<vmem>>, vector<16xi32>,
      %mul3A_395 = arith.constant 4 : i32
      %mul3A_396 = arith.muli %mul3A_395, %scan3A_82 : i32
      %add3A_397 = arith.constant 3 : i32
      %add3A_398 = arith.addi %mul3A_396, %add3A_397 : i32
      %get3A_399 = arith.constant 1 : i32
      %get3A_400 = arith.index_cast %get3A_399 : i32 to index
      %get3A_401 = arith.index_cast %add3A_398 : i32 to index
      %get3A_402 = arith.constant 0 : index
      %get3A_403 = tpu.vector_load %arg5[%get3A_400, %get3A_401, %get3A_402] {strides = array<i32>} : memref<2x128x64xf32, #tpu.memory_space<vmem>>, vector<16xf32>,
      %masked_sort3A_404 = arith.constant dense<true> : vector<16xi1>
      %masked_sort3A_405, %masked_sort3A_406, %masked_sort3A_407 = tpu.sort %get3A_403, %add3A_5 masked %masked_sort3A_404 {descending = true} : (vector<16xf32>, vector<16xi32>, vector<16xi1>) -> (vector<16xi1>, vector<16xf32>, vector<16xi32>)
      %get3A_408 = arith.constant 1 : i32
      %get3A_409 = arith.index_cast %get3A_408 : i32 to index
      %get3A_410 = arith.index_cast %add3A_398 : i32 to index
      %get3A_411 = arith.constant 16 : index
      %get3A_412 = tpu.vector_load %arg5[%get3A_409, %get3A_410, %get3A_411] {strides = array<i32>} : memref<2x128x64xf32, #tpu.memory_space<vmem>>, vector<16xf32>,
      %masked_sort3A_413 = arith.constant dense<true> : vector<16xi1>
      %masked_sort3A_414, %masked_sort3A_415, %masked_sort3A_416 = tpu.sort %get3A_412, %add3A_8 masked %masked_sort3A_413 {descending = true} : (vector<16xf32>, vector<16xi32>, vector<16xi1>) -> (vector<16xi1>, vector<16xf32>, vector<16xi32>)
      %get3A_417 = arith.constant 1 : i32
      %get3A_418 = arith.index_cast %get3A_417 : i32 to index
      %get3A_419 = arith.index_cast %add3A_398 : i32 to index
      %get3A_420 = arith.constant 32 : index
      %get3A_421 = tpu.vector_load %arg5[%get3A_418, %get3A_419, %get3A_420] {strides = array<i32>} : memref<2x128x64xf32, #tpu.memory_space<vmem>>, vector<16xf32>,
      %masked_sort3A_422 = arith.constant dense<true> : vector<16xi1>
      %masked_sort3A_423, %masked_sort3A_424, %masked_sort3A_425 = tpu.sort %get3A_421, %add3A_11 masked %masked_sort3A_422 {descending = true} : (vector<16xf32>, vector<16xi32>, vector<16xi1>) -> (vector<16xi1>, vector<16xf32>, vector<16xi32>)
      %get3A_426 = arith.constant 1 : i32
      %get3A_427 = arith.index_cast %get3A_426 : i32 to index
      %get3A_428 = arith.index_cast %add3A_398 : i32 to index
      %get3A_429 = arith.constant 48 : index
      %get3A_430 = tpu.vector_load %arg5[%get3A_427, %get3A_428, %get3A_429] {strides = array<i32>} : memref<2x128x64xf32, #tpu.memory_space<vmem>>, vector<16xf32>,
      %masked_sort3A_431 = arith.constant dense<true> : vector<16xi1>
      %masked_sort3A_432, %masked_sort3A_433, %masked_sort3A_434 = tpu.sort %get3A_430, %add3A_14 masked %masked_sort3A_431 {descending = true} : (vector<16xf32>, vector<16xi32>, vector<16xi1>) -> (vector<16xi1>, vector<16xf32>, vector<16xi32>)
      %rev3A_435 = arith.constant 15 : i32
      %rev3A_436 = vector.broadcast %rev3A_435 : i32 to vector<16xi32>
      %rev3A_437 = tpu.iota {dimensions = array<i32: 0>} : vector<16xi32>
      %rev3A_438 = arith.subi %rev3A_436, %rev3A_437 : vector<16xi32>
      %rev3A_439 = tpu.dynamic_gather %masked_sort3A_415[%rev3A_438] in [0] : vector<16xf32>, vector<16xi32> -> vector<16xf32>
      %rev3A_440 = arith.constant 15 : i32
      %rev3A_441 = vector.broadcast %rev3A_440 : i32 to vector<16xi32>
      %rev3A_442 = tpu.iota {dimensions = array<i32: 0>} : vector<16xi32>
      %rev3A_443 = arith.subi %rev3A_441, %rev3A_442 : vector<16xi32>
      %rev3A_444 = tpu.dynamic_gather %masked_sort3A_416[%rev3A_443] in [0] : vector<16xi32>, vector<16xi32> -> vector<16xi32>
      %ge3A_445 = arith.cmpf oge, %masked_sort3A_406, %rev3A_439 : vector<16xf32>
      %select_n3A_446 = arith.select %ge3A_445, %masked_sort3A_406, %rev3A_439 : vector<16xi1>, vector<16xf32>
      %select_n3A_447 = arith.select %ge3A_445, %masked_sort3A_407, %rev3A_444 : vector<16xi1>, vector<16xi32>
      %masked_sort3A_448 = arith.constant dense<true> : vector<16xi1>
      %masked_sort3A_449, %masked_sort3A_450, %masked_sort3A_451 = tpu.sort %select_n3A_446, %select_n3A_447 masked %masked_sort3A_448 {descending = true} : (vector<16xf32>, vector<16xi32>, vector<16xi1>) -> (vector<16xi1>, vector<16xf32>, vector<16xi32>)
      %rev3A_452 = arith.constant 15 : i32
      %rev3A_453 = vector.broadcast %rev3A_452 : i32 to vector<16xi32>
      %rev3A_454 = tpu.iota {dimensions = array<i32: 0>} : vector<16xi32>
      %rev3A_455 = arith.subi %rev3A_453, %rev3A_454 : vector<16xi32>
      %rev3A_456 = tpu.dynamic_gather %masked_sort3A_433[%rev3A_455] in [0] : vector<16xf32>, vector<16xi32> -> vector<16xf32>
      %rev3A_457 = arith.constant 15 : i32
      %rev3A_458 = vector.broadcast %rev3A_457 : i32 to vector<16xi32>
      %rev3A_459 = tpu.iota {dimensions = array<i32: 0>} : vector<16xi32>
      %rev3A_460 = arith.subi %rev3A_458, %rev3A_459 : vector<16xi32>
      %rev3A_461 = tpu.dynamic_gather %masked_sort3A_434[%rev3A_460] in [0] : vector<16xi32>, vector<16xi32> -> vector<16xi32>
      %ge3A_462 = arith.cmpf oge, %masked_sort3A_424, %rev3A_456 : vector<16xf32>
      %select_n3A_463 = arith.select %ge3A_462, %masked_sort3A_424, %rev3A_456 : vector<16xi1>, vector<16xf32>
      %select_n3A_464 = arith.select %ge3A_462, %masked_sort3A_425, %rev3A_461 : vector<16xi1>, vector<16xi32>
      %masked_sort3A_465 = arith.constant dense<true> : vector<16xi1>
      %masked_sort3A_466, %masked_sort3A_467, %masked_sort3A_468 = tpu.sort %select_n3A_463, %select_n3A_464 masked %masked_sort3A_465 {descending = true} : (vector<16xf32>, vector<16xi32>, vector<16xi1>) -> (vector<16xi1>, vector<16xf32>, vector<16xi32>)
      %rev3A_469 = arith.constant 15 : i32
      %rev3A_470 = vector.broadcast %rev3A_469 : i32 to vector<16xi32>
      %rev3A_471 = tpu.iota {dimensions = array<i32: 0>} : vector<16xi32>
      %rev3A_472 = arith.subi %rev3A_470, %rev3A_471 : vector<16xi32>
      %rev3A_473 = tpu.dynamic_gather %masked_sort3A_467[%rev3A_472] in [0] : vector<16xf32>, vector<16xi32> -> vector<16xf32>
      %rev3A_474 = arith.constant 15 : i32
      %rev3A_475 = vector.broadcast %rev3A_474 : i32 to vector<16xi32>
      %rev3A_476 = tpu.iota {dimensions = array<i32: 0>} : vector<16xi32>
      %rev3A_477 = arith.subi %rev3A_475, %rev3A_476 : vector<16xi32>
      %rev3A_478 = tpu.dynamic_gather %masked_sort3A_468[%rev3A_477] in [0] : vector<16xi32>, vector<16xi32> -> vector<16xi32>
      %ge3A_479 = arith.cmpf oge, %masked_sort3A_450, %rev3A_473 : vector<16xf32>
      %select_n3A_480 = arith.select %ge3A_479, %masked_sort3A_450, %rev3A_473 : vector<16xi1>, vector<16xf32>
      %select_n3A_481 = arith.select %ge3A_479, %masked_sort3A_451, %rev3A_478 : vector<16xi1>, vector<16xi32>
      %masked_sort3A_482 = arith.constant dense<true> : vector<16xi1>
      %masked_sort3A_483, %masked_sort3A_484, %masked_sort3A_485 = tpu.sort %select_n3A_480, %select_n3A_481 masked %masked_sort3A_482 {descending = true} : (vector<16xf32>, vector<16xi32>, vector<16xi1>) -> (vector<16xi1>, vector<16xf32>, vector<16xi32>)
      %mul3A_486 = arith.constant 4 : i32
      %mul3A_487 = arith.muli %mul3A_486, %scan3A_82 : i32
      %add3A_488 = arith.constant 128 : i32
      %add3A_489 = arith.addi %add3A_488, %mul3A_487 : i32
      %add3A_490 = arith.constant 3 : i32
      %add3A_491 = arith.addi %add3A_489, %add3A_490 : i32
      %mul3A_492 = arith.constant 8 : i32
      %mul3A_493 = arith.muli %mul3A_492, %add3A_491 : i32
      %mul3A_494 = arith.constant 2.500000e+00 : f32
      %mul3A_495 = vector.broadcast %mul3A_494 : f32 to vector<16xf32>
      %mul3A_496 = arith.mulf %masked_sort3A_484, %mul3A_495 : vector<16xf32>
      %swap3A_497 = arith.index_cast %mul3A_493 : i32 to index
      %swap3A_498 = tpu.vector_load %arg6[%swap3A_497] {strides = array<i32>} : memref<2056xf32, #tpu.memory_space<vmem>>, vector<16xf32>,
      tpu.vector_store %arg6[%swap3A_497], %mul3A_496 {strides = array<i32>} : memref<2056xf32, #tpu.memory_space<vmem>>, vector<16xf32>,
      %swap3A_499 = arith.index_cast %mul3A_493 : i32 to index
      %swap3A_500 = tpu.vector_load %arg7[%swap3A_499] {strides = array<i32>} : memref<2056xi32, #tpu.memory_space<vmem>>, vector<16xi32>,
      tpu.vector_store %arg7[%swap3A_499], %masked_sort3A_485 {strides = array<i32>} : memref<2056xi32, #tpu.memory_space<vmem>>, vector<16xi32>,
    }
    %scan3A_77 = arith.constant 32 : i32
    %mul3A_78 = arith.constant 8 : i32
    %mul3A_79 = arith.muli %mul3A_2, %mul3A_78 : i32
    "tpu.region"() ({
      %run_scoped3A = tpu.sem_alloc : memref<!tpu.dma_semaphore, #tpu.memory_space<semaphore_mem>>
      %dma_start3A_82 = arith.constant 0 : i32
      %dma_start3A_83 = tpu.memref_slice %arg6[%dma_start3A_82] : memref<2056xf32, #tpu.memory_space<vmem>> -> memref<2048xf32, #tpu.memory_space<vmem>>
      %dma_start3A_84 = tpu.memref_slice %arg3[%mul3A_79] : memref<65536xf32, #tpu.memory_space<hbm>> -> memref<2048xf32, #tpu.memory_space<hbm>>
      %dma_start3A_85 = tpu.memref_slice %arg3[%mul3A_79] : memref<65536xf32, #tpu.memory_space<hbm>> -> memref<2048xf32, #tpu.memory_space<hbm>>
      %dma_start3A_86 = arith.constant 0 : i32
      %dma_start3A_87 = tpu.memref_slice %arg6[%dma_start3A_86] : memref<2056xf32, #tpu.memory_space<vmem>> -> memref<2048xf32, #tpu.memory_space<vmem>>
      tpu.enqueue_dma source(%dma_start3A_87 : memref<2048xf32, #tpu.memory_space<vmem>>) target(%dma_start3A_85 : memref<2048xf32, #tpu.memory_space<hbm>>) target_semaphore(%run_scoped3A : memref<!tpu.dma_semaphore, #tpu.memory_space<semaphore_mem>>)
      %dma_wait3A_88 = arith.constant 0 : i32
      %dma_wait3A_89 = tpu.memref_slice %arg6[%dma_wait3A_88] : memref<2056xf32, #tpu.memory_space<vmem>> -> memref<2048xf32, #tpu.memory_space<vmem>>
      %dma_wait3A_90 = tpu.memref_slice %arg3[%mul3A_79] : memref<65536xf32, #tpu.memory_space<hbm>> -> memref<2048xf32, #tpu.memory_space<hbm>>
      %dma_wait3A_91 = tpu.memref_slice %arg3[%mul3A_79] : memref<65536xf32, #tpu.memory_space<hbm>> -> memref<2048xf32, #tpu.memory_space<hbm>>
      %dma_wait3A_92 = arith.constant 0 : i32
      %dma_wait3A_93 = tpu.memref_slice %arg6[%dma_wait3A_92] : memref<2056xf32, #tpu.memory_space<vmem>> -> memref<2048xf32, #tpu.memory_space<vmem>>
      tpu.wait_dma2 semaphore(%run_scoped3A : memref<!tpu.dma_semaphore, #tpu.memory_space<semaphore_mem>>) src(%dma_wait3A_93 : memref<2048xf32, #tpu.memory_space<vmem>>) dst(%dma_wait3A_91 : memref<2048xf32, #tpu.memory_space<hbm>>)
      tpu.yield
    }) : () -> ()
    %mul3A_80 = arith.constant 8 : i32
    %mul3A_81 = arith.muli %mul3A_2, %mul3A_80 : i32
    "tpu.region"() ({
      %run_scoped3A = tpu.sem_alloc : memref<!tpu.dma_semaphore, #tpu.memory_space<semaphore_mem>>
      %dma_start3A_82 = arith.constant 0 : i32
      %dma_start3A_83 = tpu.memref_slice %arg7[%dma_start3A_82] : memref<2056xi32, #tpu.memory_space<vmem>> -> memref<2048xi32, #tpu.memory_space<vmem>>
      %dma_start3A_84 = tpu.memref_slice %arg4[%mul3A_81] : memref<65536xi32, #tpu.memory_space<hbm>> -> memref<2048xi32, #tpu.memory_space<hbm>>
      %dma_start3A_85 = tpu.memref_slice %arg4[%mul3A_81] : memref<65536xi32, #tpu.memory_space<hbm>> -> memref<2048xi32, #tpu.memory_space<hbm>>
      %dma_start3A_86 = arith.constant 0 : i32
      %dma_start3A_87 = tpu.memref_slice %arg7[%dma_start3A_86] : memref<2056xi32, #tpu.memory_space<vmem>> -> memref<2048xi32, #tpu.memory_space<vmem>>
      tpu.enqueue_dma source(%dma_start3A_87 : memref<2048xi32, #tpu.memory_space<vmem>>) target(%dma_start3A_85 : memref<2048xi32, #tpu.memory_space<hbm>>) target_semaphore(%run_scoped3A : memref<!tpu.dma_semaphore, #tpu.memory_space<semaphore_mem>>)
      %dma_wait3A_88 = arith.constant 0 : i32
      %dma_wait3A_89 = tpu.memref_slice %arg7[%dma_wait3A_88] : memref<2056xi32, #tpu.memory_space<vmem>> -> memref<2048xi32, #tpu.memory_space<vmem>>
      %dma_wait3A_90 = tpu.memref_slice %arg4[%mul3A_81] : memref<65536xi32, #tpu.memory_space<hbm>> -> memref<2048xi32, #tpu.memory_space<hbm>>
      %dma_wait3A_91 = tpu.memref_slice %arg4[%mul3A_81] : memref<65536xi32, #tpu.memory_space<hbm>> -> memref<2048xi32, #tpu.memory_space<hbm>>
      %dma_wait3A_92 = arith.constant 0 : i32
      %dma_wait3A_93 = tpu.memref_slice %arg7[%dma_wait3A_92] : memref<2056xi32, #tpu.memory_space<vmem>> -> memref<2048xi32, #tpu.memory_space<vmem>>
      tpu.wait_dma2 semaphore(%run_scoped3A : memref<!tpu.dma_semaphore, #tpu.memory_space<semaphore_mem>>) src(%dma_wait3A_93 : memref<2048xi32, #tpu.memory_space<vmem>>) dst(%dma_wait3A_91 : memref<2048xi32, #tpu.memory_space<hbm>>)
      tpu.yield
    }) : () -> ()
    return
  }
}

module attributes {stable_mosaic.version = 14 : i64} {
  func.func @_dense_body(%arg0: i32, %arg1: memref<1024x2048xf32, #tpu.memory_space<vmem>>, %arg2: memref<2048x64xf32, #tpu.memory_space<vmem>>, %arg3: memref<1x64xf32, #tpu.memory_space<vmem>>, %arg4: memref<1x64xf32, #tpu.memory_space<vmem>>, %arg5: memref<1024x64xf32, #tpu.memory_space<vmem>>) attributes {dimension_semantics = [#tpu.dimension_semantics<arbitrary>], iteration_bounds = array<i64: 8>, scalar_prefetch = 0 : i64, scratch_operands = 0 : i64, tpu.core_type = #tpu.core_type<tc>, window_params = [{transform_indices = @transform_0, window_bounds = array<i64: 1024, 2048>}, {pipeline_mode = #tpu.pipeline_mode<synchronous>, transform_indices = @transform_1, window_bounds = array<i64: 2048, 64>}, {pipeline_mode = #tpu.pipeline_mode<synchronous>, transform_indices = @transform_2, window_bounds = array<i64: 1, 64>}, {pipeline_mode = #tpu.pipeline_mode<synchronous>, transform_indices = @transform_3, window_bounds = array<i64: 1, 64>}, {transform_indices = @transform_4, window_bounds = array<i64: 1024, 64>}]} {
    %get3A = arith.constant 0 : index
    %get3A_0 = arith.constant 0 : index
    %get3A_1 = vector.load %arg1[%get3A, %get3A_0] : memref<1024x2048xf32, #tpu.memory_space<vmem>>, vector<1024x2048xf32>
    %get3A_2 = arith.constant 0 : index
    %get3A_3 = arith.constant 0 : index
    %get3A_4 = vector.load %arg2[%get3A_2, %get3A_3] : memref<2048x64xf32, #tpu.memory_space<vmem>>, vector<2048x64xf32>
    %dot_general3A = arith.constant dense<0.000000e+00> : vector<1024x64xf32>
    %dot_general3A_5 = tpu.matmul %get3A_1, %get3A_4, %dot_general3A {dimension_numbers = #tpu.dot_dimension_numbers<[1], [0], [0], [1], [0, 0, 1, 1], [], []>, transpose_lhs_hint = false} : vector<1024x2048xf32>, vector<2048x64xf32>, vector<1024x64xf32> -> vector<1024x64xf32>
    %get3A_6 = arith.constant 0 : index
    %get3A_7 = arith.constant 0 : index
    %get3A_8 = vector.load %arg3[%get3A_6, %get3A_7] : memref<1x64xf32, #tpu.memory_space<vmem>>, vector<1x64xf32>
    %add3A = vector.broadcast %get3A_8 : vector<1x64xf32> to vector<1024x64xf32>
    %add3A_9 = arith.addf %dot_general3A_5, %add3A : vector<1024x64xf32>
    %logistic3A = arith.negf %add3A_9 : vector<1024x64xf32>
    %logistic3A_10 = math.exp %logistic3A : vector<1024x64xf32>
    %logistic3A_11 = arith.constant 1.000000e+00 : f32
    %logistic3A_12 = vector.broadcast %logistic3A_11 : f32 to vector<1024x64xf32>
    %logistic3A_13 = arith.addf %logistic3A_12, %logistic3A_10 : vector<1024x64xf32>
    %logistic3A_14 = arith.divf %logistic3A_12, %logistic3A_13 : vector<1024x64xf32>
    %reduce_sum3A = arith.constant dense<0.000000e+00> : vector<1024xf32>
    %reduce_sum3A_15 = vector.multi_reduction <add>, %logistic3A_14, %reduce_sum3A [1] : vector<1024x64xf32> to vector<1024xf32>
    %broadcast_in_dim3A = vector.shape_cast %reduce_sum3A_15 : vector<1024xf32> to vector<1024x1xf32>
    %div3A = vector.broadcast %broadcast_in_dim3A : vector<1024x1xf32> to vector<1024x64xf32>
    %div3A_16 = arith.divf %logistic3A_14, %div3A : vector<1024x64xf32>
    %get3A_17 = arith.constant 0 : index
    %get3A_18 = arith.constant 0 : index
    %get3A_19 = vector.load %arg4[%get3A_17, %get3A_18] : memref<1x64xf32, #tpu.memory_space<vmem>>, vector<1x64xf32>
    %add3A_20 = vector.broadcast %get3A_19 : vector<1x64xf32> to vector<1024x64xf32>
    %add3A_21 = arith.addf %div3A_16, %add3A_20 : vector<1024x64xf32>
    %slice3A = vector.extract_strided_slice %add3A_21 {offsets = [0, 0], sizes = [1024, 8], strides = [1, 1]} : vector<1024x64xf32> to vector<1024x8xf32>
    %reduce_max3A = arith.constant dense<0xFF800000> : vector<1024xf32>
    %reduce_max3A_22 = vector.multi_reduction <maximumf>, %slice3A, %reduce_max3A [1] : vector<1024x8xf32> to vector<1024xf32>
    %broadcast_in_dim3A_23 = vector.shape_cast %reduce_max3A_22 : vector<1024xf32> to vector<1024x1xf32>
    %slice3A_24 = vector.extract_strided_slice %add3A_21 {offsets = [0, 8], sizes = [1024, 8], strides = [1, 1]} : vector<1024x64xf32> to vector<1024x8xf32>
    %reduce_max3A_25 = arith.constant dense<0xFF800000> : vector<1024xf32>
    %reduce_max3A_26 = vector.multi_reduction <maximumf>, %slice3A_24, %reduce_max3A_25 [1] : vector<1024x8xf32> to vector<1024xf32>
    %broadcast_in_dim3A_27 = vector.shape_cast %reduce_max3A_26 : vector<1024xf32> to vector<1024x1xf32>
    %slice3A_28 = vector.extract_strided_slice %add3A_21 {offsets = [0, 16], sizes = [1024, 8], strides = [1, 1]} : vector<1024x64xf32> to vector<1024x8xf32>
    %reduce_max3A_29 = arith.constant dense<0xFF800000> : vector<1024xf32>
    %reduce_max3A_30 = vector.multi_reduction <maximumf>, %slice3A_28, %reduce_max3A_29 [1] : vector<1024x8xf32> to vector<1024xf32>
    %broadcast_in_dim3A_31 = vector.shape_cast %reduce_max3A_30 : vector<1024xf32> to vector<1024x1xf32>
    %slice3A_32 = vector.extract_strided_slice %add3A_21 {offsets = [0, 24], sizes = [1024, 8], strides = [1, 1]} : vector<1024x64xf32> to vector<1024x8xf32>
    %reduce_max3A_33 = arith.constant dense<0xFF800000> : vector<1024xf32>
    %reduce_max3A_34 = vector.multi_reduction <maximumf>, %slice3A_32, %reduce_max3A_33 [1] : vector<1024x8xf32> to vector<1024xf32>
    %broadcast_in_dim3A_35 = vector.shape_cast %reduce_max3A_34 : vector<1024xf32> to vector<1024x1xf32>
    %slice3A_36 = vector.extract_strided_slice %add3A_21 {offsets = [0, 32], sizes = [1024, 8], strides = [1, 1]} : vector<1024x64xf32> to vector<1024x8xf32>
    %reduce_max3A_37 = arith.constant dense<0xFF800000> : vector<1024xf32>
    %reduce_max3A_38 = vector.multi_reduction <maximumf>, %slice3A_36, %reduce_max3A_37 [1] : vector<1024x8xf32> to vector<1024xf32>
    %broadcast_in_dim3A_39 = vector.shape_cast %reduce_max3A_38 : vector<1024xf32> to vector<1024x1xf32>
    %slice3A_40 = vector.extract_strided_slice %add3A_21 {offsets = [0, 40], sizes = [1024, 8], strides = [1, 1]} : vector<1024x64xf32> to vector<1024x8xf32>
    %reduce_max3A_41 = arith.constant dense<0xFF800000> : vector<1024xf32>
    %reduce_max3A_42 = vector.multi_reduction <maximumf>, %slice3A_40, %reduce_max3A_41 [1] : vector<1024x8xf32> to vector<1024xf32>
    %broadcast_in_dim3A_43 = vector.shape_cast %reduce_max3A_42 : vector<1024xf32> to vector<1024x1xf32>
    %slice3A_44 = vector.extract_strided_slice %add3A_21 {offsets = [0, 48], sizes = [1024, 8], strides = [1, 1]} : vector<1024x64xf32> to vector<1024x8xf32>
    %reduce_max3A_45 = arith.constant dense<0xFF800000> : vector<1024xf32>
    %reduce_max3A_46 = vector.multi_reduction <maximumf>, %slice3A_44, %reduce_max3A_45 [1] : vector<1024x8xf32> to vector<1024xf32>
    %broadcast_in_dim3A_47 = vector.shape_cast %reduce_max3A_46 : vector<1024xf32> to vector<1024x1xf32>
    %slice3A_48 = vector.extract_strided_slice %add3A_21 {offsets = [0, 56], sizes = [1024, 8], strides = [1, 1]} : vector<1024x64xf32> to vector<1024x8xf32>
    %reduce_max3A_49 = arith.constant dense<0xFF800000> : vector<1024xf32>
    %reduce_max3A_50 = vector.multi_reduction <maximumf>, %slice3A_48, %reduce_max3A_49 [1] : vector<1024x8xf32> to vector<1024xf32>
    %broadcast_in_dim3A_51 = vector.shape_cast %reduce_max3A_50 : vector<1024xf32> to vector<1024x1xf32>
    %min3A = arith.minimumf %broadcast_in_dim3A_23, %broadcast_in_dim3A_27 : vector<1024x1xf32>
    %max3A = arith.maximumf %broadcast_in_dim3A_23, %broadcast_in_dim3A_27 : vector<1024x1xf32>
    %min3A_52 = arith.minimumf %broadcast_in_dim3A_31, %broadcast_in_dim3A_35 : vector<1024x1xf32>
    %max3A_53 = arith.maximumf %broadcast_in_dim3A_31, %broadcast_in_dim3A_35 : vector<1024x1xf32>
    %min3A_54 = arith.minimumf %broadcast_in_dim3A_39, %broadcast_in_dim3A_43 : vector<1024x1xf32>
    %max3A_55 = arith.maximumf %broadcast_in_dim3A_39, %broadcast_in_dim3A_43 : vector<1024x1xf32>
    %min3A_56 = arith.minimumf %broadcast_in_dim3A_47, %broadcast_in_dim3A_51 : vector<1024x1xf32>
    %max3A_57 = arith.maximumf %broadcast_in_dim3A_47, %broadcast_in_dim3A_51 : vector<1024x1xf32>
    %min3A_58 = arith.minimumf %min3A, %min3A_52 : vector<1024x1xf32>
    %max3A_59 = arith.maximumf %min3A, %min3A_52 : vector<1024x1xf32>
    %min3A_60 = arith.minimumf %max3A, %max3A_53 : vector<1024x1xf32>
    %max3A_61 = arith.maximumf %max3A, %max3A_53 : vector<1024x1xf32>
    %min3A_62 = arith.minimumf %min3A_54, %min3A_56 : vector<1024x1xf32>
    %max3A_63 = arith.maximumf %min3A_54, %min3A_56 : vector<1024x1xf32>
    %min3A_64 = arith.minimumf %max3A_55, %max3A_57 : vector<1024x1xf32>
    %max3A_65 = arith.maximumf %max3A_55, %max3A_57 : vector<1024x1xf32>
    %min3A_66 = arith.minimumf %min3A_60, %max3A_59 : vector<1024x1xf32>
    %max3A_67 = arith.maximumf %min3A_60, %max3A_59 : vector<1024x1xf32>
    %min3A_68 = arith.minimumf %min3A_64, %max3A_63 : vector<1024x1xf32>
    %max3A_69 = arith.maximumf %min3A_64, %max3A_63 : vector<1024x1xf32>
    %max3A_70 = arith.maximumf %min3A_58, %min3A_62 : vector<1024x1xf32>
    %max3A_71 = arith.maximumf %min3A_66, %min3A_68 : vector<1024x1xf32>
    %min3A_72 = arith.minimumf %max3A_67, %max3A_69 : vector<1024x1xf32>
    %min3A_73 = arith.minimumf %max3A_61, %max3A_65 : vector<1024x1xf32>
    %max3A_74 = arith.maximumf %min3A_72, %max3A_70 : vector<1024x1xf32>
    %min3A_75 = arith.minimumf %min3A_73, %max3A_71 : vector<1024x1xf32>
    %max3A_76 = arith.maximumf %min3A_75, %max3A_74 : vector<1024x1xf32>
    %ge3A = arith.cmpf oge, %broadcast_in_dim3A_23, %max3A_76 : vector<1024x1xf32>
    %slice3A_77 = vector.extract_strided_slice %add3A_21 {offsets = [0, 0], sizes = [1024, 8], strides = [1, 1]} : vector<1024x64xf32> to vector<1024x8xf32>
    %jit3A = arith.constant 0xFF800000 : f32
    %broadcast_in_dim3A_78 = vector.shape_cast %ge3A : vector<1024x1xi1> to vector<1024x1xi1>
    %broadcast_in_dim3A_79 = vector.broadcast %broadcast_in_dim3A_78 : vector<1024x1xi1> to vector<1024x8xi1>
    %broadcast_in_dim3A_80 = vector.broadcast %jit3A : f32 to vector<1024x8xf32>
    %select_n3A = arith.select %broadcast_in_dim3A_79, %slice3A_77, %broadcast_in_dim3A_80 : vector<1024x8xi1>, vector<1024x8xf32>
    %ge3A_81 = arith.cmpf oge, %broadcast_in_dim3A_27, %max3A_76 : vector<1024x1xf32>
    %slice3A_82 = vector.extract_strided_slice %add3A_21 {offsets = [0, 8], sizes = [1024, 8], strides = [1, 1]} : vector<1024x64xf32> to vector<1024x8xf32>
    %jit3A_83 = arith.constant 0xFF800000 : f32
    %broadcast_in_dim3A_84 = vector.shape_cast %ge3A_81 : vector<1024x1xi1> to vector<1024x1xi1>
    %broadcast_in_dim3A_85 = vector.broadcast %broadcast_in_dim3A_84 : vector<1024x1xi1> to vector<1024x8xi1>
    %broadcast_in_dim3A_86 = vector.broadcast %jit3A_83 : f32 to vector<1024x8xf32>
    %select_n3A_87 = arith.select %broadcast_in_dim3A_85, %slice3A_82, %broadcast_in_dim3A_86 : vector<1024x8xi1>, vector<1024x8xf32>
    %ge3A_88 = arith.cmpf oge, %broadcast_in_dim3A_31, %max3A_76 : vector<1024x1xf32>
    %slice3A_89 = vector.extract_strided_slice %add3A_21 {offsets = [0, 16], sizes = [1024, 8], strides = [1, 1]} : vector<1024x64xf32> to vector<1024x8xf32>
    %jit3A_90 = arith.constant 0xFF800000 : f32
    %broadcast_in_dim3A_91 = vector.shape_cast %ge3A_88 : vector<1024x1xi1> to vector<1024x1xi1>
    %broadcast_in_dim3A_92 = vector.broadcast %broadcast_in_dim3A_91 : vector<1024x1xi1> to vector<1024x8xi1>
    %broadcast_in_dim3A_93 = vector.broadcast %jit3A_90 : f32 to vector<1024x8xf32>
    %select_n3A_94 = arith.select %broadcast_in_dim3A_92, %slice3A_89, %broadcast_in_dim3A_93 : vector<1024x8xi1>, vector<1024x8xf32>
    %ge3A_95 = arith.cmpf oge, %broadcast_in_dim3A_35, %max3A_76 : vector<1024x1xf32>
    %slice3A_96 = vector.extract_strided_slice %add3A_21 {offsets = [0, 24], sizes = [1024, 8], strides = [1, 1]} : vector<1024x64xf32> to vector<1024x8xf32>
    %jit3A_97 = arith.constant 0xFF800000 : f32
    %broadcast_in_dim3A_98 = vector.shape_cast %ge3A_95 : vector<1024x1xi1> to vector<1024x1xi1>
    %broadcast_in_dim3A_99 = vector.broadcast %broadcast_in_dim3A_98 : vector<1024x1xi1> to vector<1024x8xi1>
    %broadcast_in_dim3A_100 = vector.broadcast %jit3A_97 : f32 to vector<1024x8xf32>
    %select_n3A_101 = arith.select %broadcast_in_dim3A_99, %slice3A_96, %broadcast_in_dim3A_100 : vector<1024x8xi1>, vector<1024x8xf32>
    %ge3A_102 = arith.cmpf oge, %broadcast_in_dim3A_39, %max3A_76 : vector<1024x1xf32>
    %slice3A_103 = vector.extract_strided_slice %add3A_21 {offsets = [0, 32], sizes = [1024, 8], strides = [1, 1]} : vector<1024x64xf32> to vector<1024x8xf32>
    %jit3A_104 = arith.constant 0xFF800000 : f32
    %broadcast_in_dim3A_105 = vector.shape_cast %ge3A_102 : vector<1024x1xi1> to vector<1024x1xi1>
    %broadcast_in_dim3A_106 = vector.broadcast %broadcast_in_dim3A_105 : vector<1024x1xi1> to vector<1024x8xi1>
    %broadcast_in_dim3A_107 = vector.broadcast %jit3A_104 : f32 to vector<1024x8xf32>
    %select_n3A_108 = arith.select %broadcast_in_dim3A_106, %slice3A_103, %broadcast_in_dim3A_107 : vector<1024x8xi1>, vector<1024x8xf32>
    %ge3A_109 = arith.cmpf oge, %broadcast_in_dim3A_43, %max3A_76 : vector<1024x1xf32>
    %slice3A_110 = vector.extract_strided_slice %add3A_21 {offsets = [0, 40], sizes = [1024, 8], strides = [1, 1]} : vector<1024x64xf32> to vector<1024x8xf32>
    %jit3A_111 = arith.constant 0xFF800000 : f32
    %broadcast_in_dim3A_112 = vector.shape_cast %ge3A_109 : vector<1024x1xi1> to vector<1024x1xi1>
    %broadcast_in_dim3A_113 = vector.broadcast %broadcast_in_dim3A_112 : vector<1024x1xi1> to vector<1024x8xi1>
    %broadcast_in_dim3A_114 = vector.broadcast %jit3A_111 : f32 to vector<1024x8xf32>
    %select_n3A_115 = arith.select %broadcast_in_dim3A_113, %slice3A_110, %broadcast_in_dim3A_114 : vector<1024x8xi1>, vector<1024x8xf32>
    %ge3A_116 = arith.cmpf oge, %broadcast_in_dim3A_47, %max3A_76 : vector<1024x1xf32>
    %slice3A_117 = vector.extract_strided_slice %add3A_21 {offsets = [0, 48], sizes = [1024, 8], strides = [1, 1]} : vector<1024x64xf32> to vector<1024x8xf32>
    %jit3A_118 = arith.constant 0xFF800000 : f32
    %broadcast_in_dim3A_119 = vector.shape_cast %ge3A_116 : vector<1024x1xi1> to vector<1024x1xi1>
    %broadcast_in_dim3A_120 = vector.broadcast %broadcast_in_dim3A_119 : vector<1024x1xi1> to vector<1024x8xi1>
    %broadcast_in_dim3A_121 = vector.broadcast %jit3A_118 : f32 to vector<1024x8xf32>
    %select_n3A_122 = arith.select %broadcast_in_dim3A_120, %slice3A_117, %broadcast_in_dim3A_121 : vector<1024x8xi1>, vector<1024x8xf32>
    %ge3A_123 = arith.cmpf oge, %broadcast_in_dim3A_51, %max3A_76 : vector<1024x1xf32>
    %slice3A_124 = vector.extract_strided_slice %add3A_21 {offsets = [0, 56], sizes = [1024, 8], strides = [1, 1]} : vector<1024x64xf32> to vector<1024x8xf32>
    %jit3A_125 = arith.constant 0xFF800000 : f32
    %broadcast_in_dim3A_126 = vector.shape_cast %ge3A_123 : vector<1024x1xi1> to vector<1024x1xi1>
    %broadcast_in_dim3A_127 = vector.broadcast %broadcast_in_dim3A_126 : vector<1024x1xi1> to vector<1024x8xi1>
    %broadcast_in_dim3A_128 = vector.broadcast %jit3A_125 : f32 to vector<1024x8xf32>
    %select_n3A_129 = arith.select %broadcast_in_dim3A_127, %slice3A_124, %broadcast_in_dim3A_128 : vector<1024x8xi1>, vector<1024x8xf32>
    %concatenate3A = tpu.concatenate %select_n3A, %select_n3A_87, %select_n3A_94, %select_n3A_101, %select_n3A_108, %select_n3A_115, %select_n3A_122, %select_n3A_129 in 1 : vector<1024x8xf32>, vector<1024x8xf32>, vector<1024x8xf32>, vector<1024x8xf32>, vector<1024x8xf32>, vector<1024x8xf32>, vector<1024x8xf32>, vector<1024x8xf32> -> vector<1024x64xf32>
    %swap3A = arith.constant 0 : index
    %swap3A_130 = arith.constant 0 : index
    %swap3A_131 = vector.load %arg5[%swap3A, %swap3A_130] : memref<1024x64xf32, #tpu.memory_space<vmem>>, vector<1024x64xf32>
    tpu.vector_store %arg5[%swap3A, %swap3A_130], %concatenate3A {strides = array<i32>} : memref<1024x64xf32, #tpu.memory_space<vmem>>, vector<1024x64xf32>,
    return
  }
  func.func @transform_0(%arg0: i32) -> (i32, i32) {
    %c0_i32 = arith.constant 0 : i32
    %c0_i32_0 = arith.constant 0 : i32
    return %arg0, %c0_i32 : i32, i32
  }
  func.func @transform_1(%arg0: i32) -> (i32, i32) {
    %c0_i32 = arith.constant 0 : i32
    %c0_i32_0 = arith.constant 0 : i32
    %c0_i32_1 = arith.constant 0 : i32
    return %c0_i32, %c0_i32_0 : i32, i32
  }
  func.func @transform_2(%arg0: i32) -> (i32, i32) {
    %c0_i32 = arith.constant 0 : i32
    %c0_i32_0 = arith.constant 0 : i32
    %c0_i32_1 = arith.constant 0 : i32
    return %c0_i32, %c0_i32_0 : i32, i32
  }
  func.func @transform_3(%arg0: i32) -> (i32, i32) {
    %c0_i32 = arith.constant 0 : i32
    %c0_i32_0 = arith.constant 0 : i32
    %c0_i32_1 = arith.constant 0 : i32
    return %c0_i32, %c0_i32_0 : i32, i32
  }
  func.func @transform_4(%arg0: i32) -> (i32, i32) {
    %c0_i32 = arith.constant 0 : i32
    %c0_i32_0 = arith.constant 0 : i32
    return %arg0, %c0_i32 : i32, i32
  }
}

</mosaic_0001>

<sc_bundles>
// kernel: kernel.4.cloned.1.call-start
scs
__scs_entry_jumppad:
0x0: {  	(pc) =	sbr.rel $0x88, $3  }
0x1: {  	(tag) =	ssettag $0x0;
	lr =	simm.s32 $0x1  }
0x2: {  	[smem:$0x3F9D] =	sst lr;
	_ =	strace $0xD0000000  }
0x3: {  	_ = 	snop  }
0x4: {  	_ = 	snop  }
0x5: {  	_ = 	snop  }
0x6: {  	_ = 	snop  }
0x7: {  	_ = 	snop  }
__scs_overlays_trampoline_lowered:
0x8: {  	[smem:$0x3FAC] =	sst s0  }
0x9: {  	[smem:$0x3FAD] =	sst s1  }
0xa: {  	[smem:$0x3FAE] =	sst s2  }
0xb: {  	[smem:$0x3FAF] =	sst s3  }
0xc: {  	[smem:$0x3FB0] =	sst s4  }
0xd: {  	[smem:$0x3FB1] =	sst s5  }
0xe: {  	[smem:$0x3FB2] =	sst s6  }
0xf: {  	[smem:$0x3FB3] =	sst s7  }
0x10: {  	[smem:$0x3FB4] =	sst s8  }
0x11: {  	[smem:$0x3FB5] =	sst s9;
	s0 =	simm.s32 @!p0 $0x0  }
0x12: {  	s1 =	sld [smem:$0x3F9B];
	s0 =	simm.s32 @p0 $0x1  }
0x13: {  	[smem:$0x3FB6] =	sst s0;
	s0 =	simm.s32 @!p1 $0x0  }
0x14: {  	s2 =	sld [smem:$0x3F9A];
	s0 =	simm.s32 @p1 $0x1  }
0x15: {  	[smem:$0x3FB7] =	sst s0;
	s0 =	simm.s32 @!p2 $0x0  }
0x16: {  	s3 =	sld [smem:$0x3FDB];
	s0 =	simm.s32 @p2 $0x1  }
0x17: {  	s4 =	simm.s32 $0x1BF5;
	[smem:$0x3FB9] =	sst s0  }
0x18: {  	s0 =	sld [smem:$0x3F9C];
	_ =	swait.ge [sflag:s4], $0x0  }
0x19: {  	s7 =	sld [smem:$0x3F9D]  }
0x1a: {  	s8 =	sadd.s32 $0xFFFFE003, lr  }
0x1b: {  	s9 =	sadd.s32 $0xFFFFFEF7, lr;
	s5 =	simm.s32 $0xFFFFFFFF;
	p2 =	slt.u32 s8, $0xFFFFF086  }
0x1c: {  	p1 =	slt.u32 s9, $0xF7A;
	s5 =	simm.s32 @!p2 $0x0  }
0x1d: {  	s5 =	simm.s32 @p1 $0x1;
	p0 =	seq.s32 s7, s2  }
0x1e: {  	s7 =	smul.u32 @!p0 $0xF7A, s2;
	p2 =	seq.s32 @!p0 s5, $0x0  }
0x1f: {  	s9 =	smul.u32 $0xF7A, s1;
	s8 =	simm.s32 @!p0 $0x1BF5;
	p2 =	por !p2, p0  }
0x20: {  	[sflag:s8] =	ssyncset.s32 @!p0 $0xFFFFF086;
	s6 =	sadd.s32 @!p0 s3, s7;
	s7 =	simm.s32 @!p0 $0x108  }
0x21: {  	s3 =	sadd.s32 s3, s9;
	s6 =	sadd.s32 @!p0 $0x88, s6;
	s7 =	simm.s32 @p2 $0x1082  }
0x22: {  	[simem:s7], [sflag:s8] =	dma.local @!p0 [hbm:s6], $0xF7A  }
0x23: {  	s9 =	sor.u32 $0xD0000000, s2;
	s6 =	simm.s32 $0x108;
	_ =	swait.ge @!p0 [sflag:s8], $0x0  }
0x24: {  	s3 =	sadd.s32 $0x88, s3;
	s6 =	simm.s32 @!p1 $0x1082;
	[sflag:s4] =	ssyncset.s32 $0xFFFFF086  }
0x25: {  	[simem:s6], [sflag:s4] =	dma.local [hbm:s3], $0xF7A  }
0x26: {  	[smem:$0x3F9D] =	sst s1;
	(tag) =	ssettag s2;
	_ =	strace s9  }
0x27: {  	s1 =	sld [smem:$0x3FAD]  }
0x28: {  	s2 =	sld [smem:$0x3FAE]  }
0x29: {  	s4 =	sld [smem:$0x3FB0]  }
0x2a: {  	p0 =	seq.s32 s5, $0x0;
	s5 =	sld [smem:$0x3FB1]  }
0x2b: {  	s6 =	sld [smem:$0x3FB2]  }
0x2c: {  	s7 =	sld [smem:$0x3FB3]  }
0x2d: {  	s3 =	simm.s32 $0x108;
	s8 =	sld [smem:$0x3FB4]  }
0x2e: {  	s3 =	simm.s32 @!p0 $0x1082;
	s9 =	sld [smem:$0x3FB5]  }
0x2f: {  	lr =	sadd.s32 s0, s3;
	s0 =	sld [smem:$0x3FAC]  }
0x30: {  	s3 =	sld [smem:$0x3FAF]  }
0x31: {  	[smem:$0x3FB8] =	sst s10  }
0x32: {  	s10 =	sld [smem:$0x3FB6];
	_ =	sdelay $0x3  }
0x33: {  	p0 =	seq.s32 s10, $0x1;
	s10 =	sld [smem:$0x3FB8];
	_ =	sdelay $0x3  }
0x34: {  	[smem:$0x3FB8] =	sst s10  }
0x35: {  	s10 =	sld [smem:$0x3FB7];
	_ =	sdelay $0x3  }
0x36: {  	p1 =	seq.s32 s10, $0x1;
	s10 =	sld [smem:$0x3FB8];
	_ =	sdelay $0x3  }
0x37: {  	[smem:$0x3FB8] =	sst s10  }
0x38: {  	s10 =	sld [smem:$0x3FB9]  }
0x39: {  	_ = 	snop;
	(pc) =	sbr.ind lr, $3  }
0x3a: {  	_ = 	snop  }
0x3b: {  	_ = 	snop  }
0x3c: {  	p2 =	seq.s32 s10, $0x1;
	s10 =	sld [smem:$0x3FB8]  }
0x3d: {  	_ =	shalt  }
0x3e: {  	_ =	shalt  }
0x3f: {  	_ =	shalt  }
0x40: {  	_ =	shalt  }
0x41: {  	_ =	shalt  }
0x42: {  	_ =	shalt  }
0x43: {  	_ =	shalt  }
0x44: {  	_ =	shalt  }
0x45: {  	_ =	shalt  }
0x46: {  	_ =	shalt  }
0x47: {  	_ =	shalt  }
0x48: {  	_ =	shalt  }
0x49: {  	_ =	shalt  }
0x4a: {  	_ =	shalt  }
0x4b: {  	_ =	shalt  }
0x4c: {  	_ =	shalt  }
0x4d: {  	_ =	shalt  }
0x4e: {  	_ =	shalt  }
0x4f: {  	_ =	shalt  }
0x50: {  	_ =	shalt  }
0x51: {  	_ =	shalt  }
0x52: {  	_ =	shalt  }
0x53: {  	_ =	shalt  }
0x54: {  	_ =	shalt  }
0x55: {  	_ =	shalt  }
0x56: {  	_ =	shalt  }
0x57: {  	_ =	shalt  }
0x58: {  	_ =	shalt  }
0x59: {  	_ =	shalt  }
0x5a: {  	_ =	shalt  }
0x5b: {  	_ =	shalt  }
0x5c: {  	_ =	shalt  }
0x5d: {  	_ =	shalt  }
0x5e: {  	_ =	shalt  }
0x5f: {  	_ =	shalt  }
0x60: {  	_ =	shalt  }
0x61: {  	_ =	shalt  }
0x62: {  	_ =	shalt  }
0x63: {  	_ =	shalt  }
0x64: {  	_ =	shalt  }
0x65: {  	_ =	shalt  }
0x66: {  	_ =	shalt  }
0x67: {  	_ =	shalt  }
0x68: {  	_ =	shalt  }
0x69: {  	_ =	shalt  }
0x6a: {  	_ =	shalt  }
0x6b: {  	_ =	shalt  }
0x6c: {  	_ =	shalt  }
0x6d: {  	_ =	shalt  }
0x6e: {  	_ =	shalt  }
0x6f: {  	_ =	shalt  }
0x70: {  	_ =	shalt  }
0x71: {  	_ =	shalt  }
0x72: {  	_ =	shalt  }
0x73: {  	_ =	shalt  }
0x74: {  	_ =	shalt  }
0x75: {  	_ =	shalt  }
0x76: {  	_ =	shalt  }
0x77: {  	_ =	shalt  }
0x78: {  	_ =	shalt  }
0x79: {  	_ =	shalt  }
0x7a: {  	_ =	shalt  }
0x7b: {  	_ =	shalt  }
0x7c: {  	_ =	shalt  }
0x7d: {  	_ =	shalt  }
0x7e: {  	_ =	shalt  }
0x7f: {  	_ =	shalt  }
0x80: {  	_ =	shalt  }
0x81: {  	_ =	shalt  }
0x82: {  	_ =	shalt  }
0x83: {  	_ =	shalt  }
0x84: {  	_ =	shalt  }
0x85: {  	_ =	shalt  }
0x86: {  	_ =	shalt  }
0x87: {  	_ =	shalt  }
.Lfunc_end0:
.L_simem_size_0:
called_computation_lowered:
.L_overlay_start_0:
0x88: {  	s2 =	sld [smem:$0x3FD9]  }
0x89: {  	s3 =	sld [smem:$0x3FFE];
	_ =	sdelay $0x1  }
0x8a: {  	s1 =	srdreg.scid  }
0x8b: {  	s0 =	sand.u32 $0x1, s1  }
0x8c: {  	s14 =	sshll.u32 s0, $0xA;
	s2 =	sadd.s32 s3, s2  }
0x8d: {  	s2 =	sadd.s32 s2, s14  }
0x8e: {  	[smem:$0x3FC4] =	sst s2  }
0x8f: {  	_ = 	snop  }
0x90: {  	s2 =	sld [smem:$0x3FD0];
	_ =	sdelay $0x2  }
0x91: {  	s15 =	simm.s32 $0xA;
	s4 =	simm.s32 $0x10  }
0x92: {  	[smem:s4], [sflag:s15] =	dma.local [hbm:s2], $0x1  }
0x93: {  	_ =	swait.eq [sflag:s15], $0x1  }
0x94: {  	[sflag:s15] =	ssyncset.done $0x0  }
0x95: {  	[sflag:s15] =	ssyncadd.s32 $0xFFFFFFFF  }
0x96: {  	s16 =	sld [smem:$0x11];
	(tm) =	ssettm $0x1  }
0x97: {  	s17 =	sld [smem:$0x3FFB];
	_ =	sdelay $0x3  }
0x98: {  	_ =	strace s17  }
0x99: {  	s3 =	sld [smem:$0x3FFC];
	_ =	sdelay $0x3  }
0x9a: {  	_ =	strace s3  }
0x9b: {  	s3 =	sld [smem:$0x3FFD];
	_ =	sdelay $0x3  }
0x9c: {  	_ =	strace s3  }
0x9d: {  	_ =	strace $0x8FFFFFFF  }
0x9e: {  	s18 =	sld [smem:$0x3FDB];
	_ =	sdelay $0x1  }
0x9f: {  	s19 =	simm.s32 $_scs_section_size  }
0xa0: {  	s5 =	simm.s32 $_size__tile_overlayer_lowered;
	s6 =	simm.s32 $_tile_overlayer_lowered  }
0xa1: {  	s22 =	simm.s32 $0x1BFF;
	s21 =	sshll.u32 s6, $0x1;
	s3 =	sadd.s32 s19, s18  }
0xa2: {  	s7 =	simm.s32 $0x0;
	s20 =	sshll.u32 s5, $0x1;
	s5 =	sadd.s32 s21, s3  }
0xa3: {  	[timem:s7], [sflag:s22] =	dma.local [hbm:s5], s20  }
0xa4: {  	_ =	swait.ge [sflag:s22], s20  }
0xa5: {  	s4 =	ssub.s32 $0x0, s20;
	[sflag:s22] =	ssyncset.done $0x0  }
0xa6: {  	[sflag:s22] =	ssyncadd.s32 s4;
	_ =	sdelay $0x1  }
0xa7: {  	s23 =	simm.s32 $0x1B8B  }
0xa8: {  	_ =	swait.ge [sflag:s23], $0x1  }
0xa9: {  	[sflag:s23] =	ssyncset.done $0x0  }
0xaa: {  	s25 =	simm.s32 $0x1B8E;
	s24 =	sld [smem:$0x3FFE];
	[sflag:s23] =	ssyncadd.s32 $0xFFFFFFFF  }
0xab: {  	s26 =	simm.s32 $execute0_lowered;
	[smem:$0x3FD2] =	sst s25  }
0xac: {  	s5 =	sshll.u32 s26, $0x1;
	_ =	strace $0x80000046;
	[dreg:$0x1] =	wrdreg $0xFFFFFFFF  }
0xad: {  	s28 =	simm.s32 $_size_execute0_lowered;
	s3 =	sadd.s32 s3, s5;
	[dreg:$0x0] =	wrdreg $0x0  }
0xae: {  	s5 =	sshll.u32 s28, $0x1;
	[dreg:$0x2] =	wrdreg s3  }
0xaf: {  	[dreg:$0x3] =	wrdreg s5  }
0xb0: {  	[dreg:$0x4] =	wrdreg $0xC0  }
0xb1: {  	_ =	task [dreg:s7], $0x5FFFF  }
0xb2: {  	[dreg:$0x1] =	wrdreg $0xFFFFFFFF  }
0xb3: {  	[dreg:$0x0] =	wrdreg $0x60  }
0xb4: {  	[dreg:$0x2] =	wrdreg s24  }
0xb5: {  	[dreg:$0x3] =	wrdreg s16  }
0xb6: {  	[dreg:$0x4] =	wrdreg $0x9  }
0xb7: {  	_ =	task.clear_ibuf [dreg:s7], $0x5FFFF;
	_ =	strace $0x90000046  }
0xb8: {  	s29 =	simm.s32 $0x9;
	_ =	strace $0x80000048  }
0xb9: {  	_ =	swait.ge [sflag:s29], $0x1  }
0xba: {  	[sflag:s29] =	ssyncadd.s32 $0xFFFFFFFF  }
0xbb: {  	_ =	strace $0x90000048  }
0xbc: {  	_ =	sfence  }
0xbd: {  	s30 =	sld [smem:$0x0];
	_ =	sdelay $0x2  }
0xbe: {  	s31 =	sshll.u32 s1, $0xD;
	s1 =	sshrl.u32 s1, $0x2  }
0xbf: {  	s3 =	sand.u32 $0x4000, s31;
	s1 =	sadd.s32 s1, s30  }
0xc0: {  	s0 =	sor.u32 s3, s0;
	s1 =	sshll.u32 s1, $0x11  }
0xc1: {  	s0 =	sor.u32 s1, s0  }
0xc2: {  	s0 =	sadd.s32 $0x8F2B, s0  }
0xc3: {  	[sflag:s0] =	ssyncadd.remote.s32 $0x1  }
0xc4: {  	_ =	sfence.sel $0xFFFF  }
0xc5: {  	[dreg:$0x0] =	wrdreg $0xFFFFFFFF;
	(pc) =	sbr.abs _section_cstart, $3  }
0xc6: {  	[dreg:$0x1] =	wrdreg $0xFFFFFFFF  }
0xc7: {  	_ =	task.clear_ibuf [dreg:s7], $0x2FFFF;
	_ =	strace $0x9FFFFFFF  }
0xc8: {  	(tm) =	ssettm $0x7FFFFFFF  }
0xc9: {  	_ =	shalt  }
tec
execute0_lowered:
.L_overlay_start_1:
0x0: {  	(tag) =	ssettag $0x1  }
0x1: {  	s3 =	rddreg [dreg:$0x0]  }
0x2: {  	s5 =	rddreg [dreg:$0x1]  }
0x3: {  	s0 =	rddreg [dreg:$0x2]  }
0x4: {  	s2 =	simm.s32 $0x0;
	s4 =	srdreg.scid;
	s1 =	stileid.u32  }
0x5: {  	s10 =	simm.s32 $0x2;
	s11 =	simm.s32 $0x8000;
	s12 =	simm.s32 $0x3  }
0x6: {  	s13 =	simm.s32 $0x8880;
	s4 =	sand.u32 $0x1, s4;
	s6 =	sshll.u32 s1, $0x1  }
0x7: {  	s14 =	simm.s32 $0x0;
	[smem:$0x7FF] =	sst s2;
	s6 =	sor.u32 s4, s6  }
0x8: {  	_ =	strace $0x80000047;
	s4 =	ssub.s32 $0x2, s4;
	s7 =	sshll.u32 s6, $0xC  }
0x9: {  	v0 =	vlaneseq.u32;
	s6 =	sshll.u32 s6, $0x8;
	s8 =	sshrl.u32 s4, $0x1;
	s7 =	sadd.s32 s7, s3  }
0xa: {  	v4 =	vmul.u32 $0xFFFFFFFF, v0;
	s9 =	sadd.s32 s6, s3;
	s8 =	ssub.s32 s4, s8;
	s5 =	sadd.s32 s5, s6  }
0xb: {  	v1 =	vor.u32 $0x10, v0;
	s3 =	sadd.s32 $0x1000, s7;
	s4 =	sadd.s32 $0x1800, s7;
	s6 =	sadd.s32 $0x21000, s9  }
0xc: {  	v2 =	vor.u32 $0x20, v0;
	v3 =	vor.u32 $0x30, v0;
	v4 =	vadd.s32 $0xF, v4;
	s7 =	smax.u32 s8, $0x1;
	s8 =	simm.s32 $0x4000;
	s9 =	simm.s32 $0x1  }
.LBB2_1:
0xd: {  	[tilespmem:s2], [sflag:$0x1] =	stream.linear.gather [hbm4b:s3+s2], $0x4000, $0x38;
	[tilespmem:$0x9100] =	vst v63  }
0xe: {  	_ = 	snop  }
0xf: {  	[tilespmem:s8], [sflag:$0x2] =	stream.linear.gather [hbm4b:s4+s2], $0x4000, $0x38;
	[tilespmem:$0x9100] =	vst v63  }
0x10: {  	_ =	swait.ge [sflag:s9], $0x4000  }
0x11: {  	[sflag:s9] =	ssyncset.done $0x0  }
0x12: {  	s15 =	simm.s32 $0x100;
	[sflag:s9] =	ssyncadd.s32 $0xFFFFC000  }
0x13: {  	v5 =	vld [tilespmem:s15+$0xFFFFFF30]  }
0x14: {  	v6 =	vld [tilespmem:s15+$0xFFFFFF20]  }
0x15: {  	v7 =	vld [tilespmem:s15+$0xFFFFFF10];
	_ =	sdelay $0x1  }
0x16: {  	v8 =	vld [tilespmem:s15+$0xFFFFFF00]  }
0x17: {  	(xrf1) =	vsort.dscd.msk.f32 $0xffff, v5, v3  }
0x18: {  	(xrf1) =	vsort.dscd.msk.f32 $0xffff, v6, v2  }
0x19: {  	(xrf1) =	vsort.dscd.msk.f32 $0xffff, v7, v1;
	_ =	sdelay $0x1  }
0x1a: {  	(xrf1) =	vsort.dscd.msk.f32 $0xffff, v8, v0;
	_ =	sdelay $0x9  }
0x1b: {  	v5, v6, _ =	vpop (xrf1)  }
0x1c: {  	v5 =	vperm.xlane v5, v4;
	v7, v43, _ =	vpop (xrf1)  }
0x1d: {  	v6 =	vperm.xlane v6, v4;
	v9, v10, _ =	vpop (xrf1)  }
0x1e: {  	v9 =	vperm.xlane v9, v4;
	vm0 =	vge.f32 v7, v5  }
0x1f: {  	v10 =	vperm.xlane v10, v4;
	v5 =	vsel vm0, v7, v5;
	v6 =	vsel vm0, v43, v6;
	v7, v44, _ =	vpop (xrf1)  }
0x20: {  	vm5 =	vge.f32 v7, v9;
	(xrf1) =	vsort.dscd.msk.f32 $0xffff, v5, v6  }
0x21: {  	v5 =	vsel vm5, v7, v9;
	v6 =	vsel vm5, v44, v10  }
0x22: {  	(xrf1) =	vsort.dscd.msk.f32 $0xffff, v5, v6;
	_ =	sdelay $0xb  }
0x23: {  	v5, v6, _ =	vpop (xrf1)  }
0x24: {  	v5 =	vperm.xlane v5, v4  }
0x25: {  	v6 =	vperm.xlane v6, v4;
	v7, v45, _ =	vpop (xrf1)  }
0x26: {  	vm6 =	vge.f32 v7, v5  }
0x27: {  	v5 =	vsel vm6, v7, v5;
	v6 =	vsel vm6, v45, v6  }
0x28: {  	(xrf1) =	vsort.dscd.msk.f32 $0xffff, v5, v6;
	_ =	sdelay $0xd  }
0x29: {  	v5, v6, _ =	vpop (xrf1)  }
0x2a: {  	s16 =	simm.s32 $0x0;
	v5 =	vmul.f32 $2.500000000e+00, v5  }
0x2b: {  	[tilespmem:s16+$0x8880] =	vst v6  }
0x2c: {  	[tilespmem:s16+$0x8000] =	vst v5  }
0x2d: {  	v5 =	vld [tilespmem:s15+$0xFFFFFFB0]  }
0x2e: {  	v6 =	vld [tilespmem:s15+$0xFFFFFFA0]  }
0x2f: {  	v7 =	vld [tilespmem:s15+$0xFFFFFF90];
	_ =	sdelay $0x1  }
0x30: {  	v46 =	vld [tilespmem:s15+$0xFFFFFF80]  }
0x31: {  	(xrf1) =	vsort.dscd.msk.f32 $0xffff, v5, v3  }
0x32: {  	(xrf1) =	vsort.dscd.msk.f32 $0xffff, v6, v2  }
0x33: {  	(xrf1) =	vsort.dscd.msk.f32 $0xffff, v7, v1;
	_ =	sdelay $0x1  }
0x34: {  	(xrf1) =	vsort.dscd.msk.f32 $0xffff, v46, v0;
	_ =	sdelay $0x9  }
0x35: {  	v5, v6, _ =	vpop (xrf1)  }
0x36: {  	v5 =	vperm.xlane v5, v4;
	v7, v47, _ =	vpop (xrf1)  }
0x37: {  	v6 =	vperm.xlane v6, v4;
	v48, v49, _ =	vpop (xrf1)  }
0x38: {  	v9 =	vperm.xlane v48, v4;
	vm7 =	vge.f32 v7, v5  }
0x39: {  	v10 =	vperm.xlane v49, v4;
	v5 =	vsel vm7, v7, v5;
	v6 =	vsel vm7, v47, v6;
	v7, v50, _ =	vpop (xrf1)  }
0x3a: {  	vm8 =	vge.f32 v7, v9;
	(xrf1) =	vsort.dscd.msk.f32 $0xffff, v5, v6  }
0x3b: {  	v5 =	vsel vm8, v7, v9;
	v6 =	vsel vm8, v50, v10  }
0x3c: {  	(xrf1) =	vsort.dscd.msk.f32 $0xffff, v5, v6;
	_ =	sdelay $0xb  }
0x3d: {  	v5, v6, _ =	vpop (xrf1)  }
0x3e: {  	v5 =	vperm.xlane v5, v4  }
0x3f: {  	v6 =	vperm.xlane v6, v4;
	v7, v51, _ =	vpop (xrf1)  }
0x40: {  	vm9 =	vge.f32 v7, v5  }
0x41: {  	v5 =	vsel vm9, v7, v5;
	v6 =	vsel vm9, v51, v6  }
0x42: {  	(xrf1) =	vsort.dscd.msk.f32 $0xffff, v5, v6;
	_ =	sdelay $0xd  }
0x43: {  	v5, v6, _ =	vpop (xrf1)  }
0x44: {  	v5 =	vmul.f32 $2.500000000e+00, v5  }
0x45: {  	[tilespmem:s16+$0x8888] =	vst v6  }
0x46: {  	[tilespmem:s16+$0x8008] =	vst v5  }
0x47: {  	v5 =	vld [tilespmem:s15+$0x30]  }
0x48: {  	v6 =	vld [tilespmem:s15+$0x10]  }
0x49: {  	v7 =	vld [tilespmem:s15+$0x20];
	_ =	sdelay $0x1  }
0x4a: {  	v52 =	vld [tilespmem:s15+$0x0]  }
0x4b: {  	(xrf1) =	vsort.dscd.msk.f32 $0xffff, v5, v3  }
0x4c: {  	(xrf1) =	vsort.dscd.msk.f32 $0xffff, v6, v1  }
0x4d: {  	(xrf1) =	vsort.dscd.msk.f32 $0xffff, v7, v2;
	_ =	sdelay $0x1  }
0x4e: {  	(xrf1) =	vsort.dscd.msk.f32 $0xffff, v52, v0;
	_ =	sdelay $0x9  }
0x4f: {  	v5, v6, _ =	vpop (xrf1)  }
0x50: {  	v5 =	vperm.xlane v5, v4;
	v7, v53, _ =	vpop (xrf1)  }
0x51: {  	v6 =	vperm.xlane v6, v4;
	v54, v55, _ =	vpop (xrf1)  }
0x52: {  	v7 =	vperm.xlane v7, v4;
	vm10 =	vge.f32 v54, v5  }
0x53: {  	v8 =	vperm.xlane v53, v4;
	v11, v12, _ =	vpop (xrf1);
	v5 =	vsel vm10, v54, v5;
	v6 =	vsel vm10, v55, v6  }
0x54: {  	vm11 =	vge.f32 v11, v7;
	(xrf1) =	vsort.dscd.msk.f32 $0xffff, v5, v6  }
0x55: {  	v5 =	vsel vm11, v11, v7;
	v6 =	vsel vm11, v12, v8  }
0x56: {  	(xrf1) =	vsort.dscd.msk.f32 $0xffff, v5, v6;
	_ =	sdelay $0xb  }
0x57: {  	v5, v6, _ =	vpop (xrf1)  }
0x58: {  	v5 =	vperm.xlane v5, v4  }
0x59: {  	v6 =	vperm.xlane v6, v4;
	v7, v56, _ =	vpop (xrf1)  }
0x5a: {  	vm12 =	vge.f32 v7, v5  }
0x5b: {  	v5 =	vsel vm12, v7, v5;
	v6 =	vsel vm12, v56, v6  }
0x5c: {  	(xrf1) =	vsort.dscd.msk.f32 $0xffff, v5, v6;
	_ =	sdelay $0xd  }
0x5d: {  	v5, v6, _ =	vpop (xrf1)  }
0x5e: {  	v5 =	vmul.f32 $2.500000000e+00, v5  }
0x5f: {  	[tilespmem:s16+$0x8890] =	vst v6  }
0x60: {  	[tilespmem:s16+$0x8010] =	vst v5  }
0x61: {  	v5 =	vld [tilespmem:s15+$0xB0]  }
0x62: {  	v6 =	vld [tilespmem:s15+$0x90]  }
0x63: {  	v7 =	vld [tilespmem:s15+$0xA0];
	_ =	sdelay $0x1  }
0x64: {  	v57 =	vld [tilespmem:s15+$0x80]  }
0x65: {  	(xrf1) =	vsort.dscd.msk.f32 $0xffff, v5, v3  }
0x66: {  	(xrf1) =	vsort.dscd.msk.f32 $0xffff, v6, v1  }
0x67: {  	(xrf1) =	vsort.dscd.msk.f32 $0xffff, v7, v2;
	_ =	sdelay $0x1  }
0x68: {  	(xrf1) =	vsort.dscd.msk.f32 $0xffff, v57, v0;
	_ =	sdelay $0x9  }
0x69: {  	v5, v6, _ =	vpop (xrf1)  }
0x6a: {  	v5 =	vperm.xlane v5, v4;
	v7, v58, _ =	vpop (xrf1)  }
0x6b: {  	v6 =	vperm.xlane v6, v4;
	v59, v60, _ =	vpop (xrf1)  }
0x6c: {  	v7 =	vperm.xlane v7, v4;
	vm13 =	vge.f32 v59, v5  }
0x6d: {  	v8 =	vperm.xlane v58, v4;
	v61, v62, _ =	vpop (xrf1);
	v5 =	vsel vm13, v59, v5;
	v6 =	vsel vm13, v60, v6  }
0x6e: {  	vm14 =	vge.f32 v61, v7;
	(xrf1) =	vsort.dscd.msk.f32 $0xffff, v5, v6  }
0x6f: {  	v5 =	vsel vm14, v61, v7;
	v6 =	vsel vm14, v62, v8  }
0x70: {  	(xrf1) =	vsort.dscd.msk.f32 $0xffff, v5, v6;
	_ =	sdelay $0xb  }
0x71: {  	v5, v6, _ =	vpop (xrf1)  }
0x72: {  	v5 =	vperm.xlane v5, v4  }
0x73: {  	v6 =	vperm.xlane v6, v4;
	v7, v63, _ =	vpop (xrf1)  }
0x74: {  	vm15 =	vge.f32 v7, v5  }
0x75: {  	v5 =	vsel vm15, v7, v5;
	v6 =	vsel vm15, v63, v6  }
0x76: {  	(xrf1) =	vsort.dscd.msk.f32 $0xffff, v5, v6;
	_ =	sdelay $0xd  }
0x77: {  	v5, v6, _ =	vpop (xrf1)  }
0x78: {  	s17 =	simm.s32 $0x80;
	v5 =	vmul.f32 $2.500000000e+00, v5;
	[tilespmem:s16+$0x8898] =	vst v6  }
.LBB2_2:
0x79: {  	p0 =	sne.s32 s17, $0xF80  }
0x7a: {  	s15 =	sadd.s32 $0x200, s15;
	[tilespmem:s16+$0x8018] =	vst v5;
	s16 =	smov.u32 s17;
	s17 =	sadd.s32 $0x80, s17  }
0x7b: {  	v5 =	vld [tilespmem:s15+$0xFFFFFF30]  }
0x7c: {  	v6 =	vld [tilespmem:s15+$0xFFFFFF20]  }
0x7d: {  	v7 =	vld [tilespmem:s15+$0xFFFFFF10];
	_ =	sdelay $0x1  }
0x7e: {  	v8 =	vld [tilespmem:s15+$0xFFFFFF00]  }
0x7f: {  	(xrf1) =	vsort.dscd.msk.f32 $0xffff, v5, v3  }
0x80: {  	(xrf1) =	vsort.dscd.msk.f32 $0xffff, v6, v2  }
0x81: {  	(xrf1) =	vsort.dscd.msk.f32 $0xffff, v7, v1;
	_ =	sdelay $0x1  }
0x82: {  	(xrf1) =	vsort.dscd.msk.f32 $0xffff, v8, v0;
	_ =	sdelay $0x9  }
0x83: {  	v5, v6, _ =	vpop (xrf1)  }
0x84: {  	v5 =	vperm.xlane v5, v4;
	v7, v8, _ =	vpop (xrf1)  }
0x85: {  	v6 =	vperm.xlane v6, v4;
	v9, v10, _ =	vpop (xrf1)  }
0x86: {  	v9 =	vperm.xlane v9, v4;
	vm0 =	vge.f32 v7, v5  }
0x87: {  	v10 =	vperm.xlane v10, v4;
	v5 =	vsel vm0, v7, v5;
	v6 =	vsel vm0, v8, v6;
	v7, v8, _ =	vpop (xrf1)  }
0x88: {  	vm0 =	vge.f32 v7, v9;
	(xrf1) =	vsort.dscd.msk.f32 $0xffff, v5, v6  }
0x89: {  	v5 =	vsel vm0, v7, v9;
	v6 =	vsel vm0, v8, v10  }
0x8a: {  	(xrf1) =	vsort.dscd.msk.f32 $0xffff, v5, v6;
	_ =	sdelay $0xb  }
0x8b: {  	v5, v6, _ =	vpop (xrf1)  }
0x8c: {  	v5 =	vperm.xlane v5, v4  }
0x8d: {  	v6 =	vperm.xlane v6, v4;
	v7, v8, _ =	vpop (xrf1)  }
0x8e: {  	vm0 =	vge.f32 v7, v5  }
0x8f: {  	v5 =	vsel vm0, v7, v5;
	v6 =	vsel vm0, v8, v6  }
0x90: {  	(xrf1) =	vsort.dscd.msk.f32 $0xffff, v5, v6;
	_ =	sdelay $0xd  }
0x91: {  	s16 =	sshra.s32 s16, $0x2;
	v5, v6, _ =	vpop (xrf1)  }
0x92: {  	v5 =	vmul.f32 $2.500000000e+00, v5;
	[tilespmem:s16+$0x8880] =	vst v6;
	_ =	sdelay $0x1  }
0x93: {  	[tilespmem:s16+$0x8000] =	vst v5  }
0x94: {  	v5 =	vld [tilespmem:s15+$0xFFFFFFB0]  }
0x95: {  	v6 =	vld [tilespmem:s15+$0xFFFFFFA0]  }
0x96: {  	v7 =	vld [tilespmem:s15+$0xFFFFFF90];
	_ =	sdelay $0x1  }
0x97: {  	v8 =	vld [tilespmem:s15+$0xFFFFFF80]  }
0x98: {  	(xrf1) =	vsort.dscd.msk.f32 $0xffff, v5, v3  }
0x99: {  	(xrf1) =	vsort.dscd.msk.f32 $0xffff, v6, v2  }
0x9a: {  	(xrf1) =	vsort.dscd.msk.f32 $0xffff, v7, v1;
	_ =	sdelay $0x1  }
0x9b: {  	(xrf1) =	vsort.dscd.msk.f32 $0xffff, v8, v0;
	_ =	sdelay $0x9  }
0x9c: {  	v5, v6, _ =	vpop (xrf1)  }
0x9d: {  	v5 =	vperm.xlane v5, v4;
	v7, v8, _ =	vpop (xrf1)  }
0x9e: {  	v6 =	vperm.xlane v6, v4;
	v9, v10, _ =	vpop (xrf1)  }
0x9f: {  	v9 =	vperm.xlane v9, v4;
	vm0 =	vge.f32 v7, v5  }
0xa0: {  	v10 =	vperm.xlane v10, v4;
	v5 =	vsel vm0, v7, v5;
	v6 =	vsel vm0, v8, v6;
	v7, v8, _ =	vpop (xrf1)  }
0xa1: {  	vm0 =	vge.f32 v7, v9;
	(xrf1) =	vsort.dscd.msk.f32 $0xffff, v5, v6  }
0xa2: {  	v5 =	vsel vm0, v7, v9;
	v6 =	vsel vm0, v8, v10  }
0xa3: {  	(xrf1) =	vsort.dscd.msk.f32 $0xffff, v5, v6;
	_ =	sdelay $0xb  }
0xa4: {  	v5, v6, _ =	vpop (xrf1)  }
0xa5: {  	v5 =	vperm.xlane v5, v4  }
0xa6: {  	v6 =	vperm.xlane v6, v4;
	v7, v8, _ =	vpop (xrf1)  }
0xa7: {  	vm0 =	vge.f32 v7, v5  }
0xa8: {  	v5 =	vsel vm0, v7, v5;
	v6 =	vsel vm0, v8, v6  }
0xa9: {  	(xrf1) =	vsort.dscd.msk.f32 $0xffff, v5, v6;
	_ =	sdelay $0xd  }
0xaa: {  	v5, v6, _ =	vpop (xrf1)  }
0xab: {  	v5 =	vmul.f32 $2.500000000e+00, v5;
	[tilespmem:s16+$0x8888] =	vst v6;
	_ =	sdelay $0x1  }
0xac: {  	[tilespmem:s16+$0x8008] =	vst v5  }
0xad: {  	v5 =	vld [tilespmem:s15+$0x30]  }
0xae: {  	v6 =	vld [tilespmem:s15+$0x10]  }
0xaf: {  	v7 =	vld [tilespmem:s15+$0x20]  }
0xb0: {  	v8 =	vld [tilespmem:s15+$0x0];
	_ =	sdelay $0x1  }
0xb1: {  	(xrf1) =	vsort.dscd.msk.f32 $0xffff, v5, v3  }
0xb2: {  	(xrf1) =	vsort.dscd.msk.f32 $0xffff, v6, v1  }
0xb3: {  	(xrf1) =	vsort.dscd.msk.f32 $0xffff, v7, v2  }
0xb4: {  	(xrf1) =	vsort.dscd.msk.f32 $0xffff, v8, v0;
	_ =	sdelay $0xa  }
0xb5: {  	v5, v6, _ =	vpop (xrf1)  }
0xb6: {  	v5 =	vperm.xlane v5, v4;
	v7, v8, _ =	vpop (xrf1)  }
0xb7: {  	v6 =	vperm.xlane v6, v4;
	v7 =	vperm.xlane v7, v4;
	v9, v10, _ =	vpop (xrf1)  }
0xb8: {  	v8 =	vperm.xlane v8, v4;
	vm0 =	vge.f32 v9, v5;
	v11, v12, _ =	vpop (xrf1)  }
0xb9: {  	vm1 =	vge.f32 v11, v7;
	v5 =	vsel vm0, v9, v5;
	v6 =	vsel vm0, v10, v6  }
0xba: {  	v7 =	vsel vm1, v11, v7;
	v8 =	vsel vm1, v12, v8;
	(xrf1) =	vsort.dscd.msk.f32 $0xffff, v5, v6;
	_ =	sdelay $0x1  }
0xbb: {  	(xrf1) =	vsort.dscd.msk.f32 $0xffff, v7, v8;
	_ =	sdelay $0xb  }
0xbc: {  	v5, v6, _ =	vpop (xrf1)  }
0xbd: {  	v5 =	vperm.xlane v5, v4  }
0xbe: {  	v6 =	vperm.xlane v6, v4;
	v7, v8, _ =	vpop (xrf1)  }
0xbf: {  	vm0 =	vge.f32 v7, v5  }
0xc0: {  	v5 =	vsel vm0, v7, v5;
	v6 =	vsel vm0, v8, v6  }
0xc1: {  	(xrf1) =	vsort.dscd.msk.f32 $0xffff, v5, v6;
	_ =	sdelay $0xd  }
0xc2: {  	v5, v6, _ =	vpop (xrf1)  }
0xc3: {  	v5 =	vmul.f32 $2.500000000e+00, v5;
	[tilespmem:s16+$0x8890] =	vst v6;
	_ =	sdelay $0x1  }
0xc4: {  	[tilespmem:s16+$0x8010] =	vst v5  }
0xc5: {  	v5 =	vld [tilespmem:s15+$0xB0]  }
0xc6: {  	v6 =	vld [tilespmem:s15+$0x90]  }
0xc7: {  	v7 =	vld [tilespmem:s15+$0xA0]  }
0xc8: {  	v8 =	vld [tilespmem:s15+$0x80];
	_ =	sdelay $0x1  }
0xc9: {  	(xrf1) =	vsort.dscd.msk.f32 $0xffff, v5, v3  }
0xca: {  	(xrf1) =	vsort.dscd.msk.f32 $0xffff, v6, v1  }
0xcb: {  	(xrf1) =	vsort.dscd.msk.f32 $0xffff, v7, v2  }
0xcc: {  	(xrf1) =	vsort.dscd.msk.f32 $0xffff, v8, v0;
	_ =	sdelay $0xa  }
0xcd: {  	v5, v6, _ =	vpop (xrf1)  }
0xce: {  	v5 =	vperm.xlane v5, v4;
	v7, v8, _ =	vpop (xrf1)  }
0xcf: {  	v6 =	vperm.xlane v6, v4;
	v7 =	vperm.xlane v7, v4;
	v9, v10, _ =	vpop (xrf1)  }
0xd0: {  	v8 =	vperm.xlane v8, v4;
	vm0 =	vge.f32 v9, v5;
	v11, v12, _ =	vpop (xrf1)  }
0xd1: {  	vm1 =	vge.f32 v11, v7;
	v5 =	vsel vm0, v9, v5;
	v6 =	vsel vm0, v10, v6  }
0xd2: {  	v7 =	vsel vm1, v11, v7;
	v8 =	vsel vm1, v12, v8;
	(xrf1) =	vsort.dscd.msk.f32 $0xffff, v5, v6;
	_ =	sdelay $0x1  }
0xd3: {  	(xrf1) =	vsort.dscd.msk.f32 $0xffff, v7, v8;
	_ =	sdelay $0xb  }
0xd4: {  	v5, v6, _ =	vpop (xrf1)  }
0xd5: {  	v5 =	vperm.xlane v5, v4  }
0xd6: {  	v6 =	vperm.xlane v6, v4;
	v7, v8, _ =	vpop (xrf1)  }
0xd7: {  	vm0 =	vge.f32 v7, v5  }
0xd8: {  	v5 =	vsel vm0, v7, v5;
	v6 =	vsel vm0, v8, v6  }
0xd9: {  	(xrf1) =	vsort.dscd.msk.f32 $0xffff, v5, v6;
	_ =	sdelay $0xa  }
.Ltmp0:
0xda: {  	(pc) =	sbr.rel @p0 .LBB2_2-.Ltmp0, $3  }
0xdb: {  	_ =	sdelay $0x1  }
0xdc: {  	v5, v6, _ =	vpop (xrf1)  }
0xdd: {  	v5 =	vmul.f32 $2.500000000e+00, v5;
	[tilespmem:s16+$0x8898] =	vst v6  }
0xde: {  	_ = 	snop  }
0xdf: {  	[tilespmem:s16+$0x8018] =	vst v5  }
0xe0: {  	_ =	swait.ge [sflag:s10], $0x4000  }
0xe1: {  	[sflag:s10] =	ssyncset.done $0x0  }
0xe2: {  	s31 =	simm.s32 $0x0;
	[sflag:s10] =	ssyncadd.s32 $0xFFFFC000  }
0xe3: {  	v5 =	vld [tilespmem:s31+$0x4030]  }
0xe4: {  	v6 =	vld [tilespmem:s31+$0x4020]  }
0xe5: {  	v7 =	vld [tilespmem:s31+$0x4010];
	_ =	sdelay $0x1  }
0xe6: {  	v8 =	vld [tilespmem:s31+$0x4000]  }
0xe7: {  	(xrf1) =	vsort.dscd.msk.f32 $0xffff, v5, v3  }
0xe8: {  	(xrf1) =	vsort.dscd.msk.f32 $0xffff, v6, v2  }
0xe9: {  	(xrf1) =	vsort.dscd.msk.f32 $0xffff, v7, v1;
	_ =	sdelay $0x1  }
0xea: {  	(xrf1) =	vsort.dscd.msk.f32 $0xffff, v8, v0;
	_ =	sdelay $0x9  }
0xeb: {  	v5, v6, _ =	vpop (xrf1)  }
0xec: {  	v5 =	vperm.xlane v5, v4;
	v7, v43, _ =	vpop (xrf1)  }
0xed: {  	v6 =	vperm.xlane v6, v4;
	v9, v10, _ =	vpop (xrf1)  }
0xee: {  	v9 =	vperm.xlane v9, v4;
	vm0 =	vge.f32 v7, v5  }
0xef: {  	v10 =	vperm.xlane v10, v4;
	v5 =	vsel vm0, v7, v5;
	v6 =	vsel vm0, v43, v6;
	v7, v44, _ =	vpop (xrf1)  }
0xf0: {  	vm5 =	vge.f32 v7, v9;
	(xrf1) =	vsort.dscd.msk.f32 $0xffff, v5, v6  }
0xf1: {  	v5 =	vsel vm5, v7, v9;
	v6 =	vsel vm5, v44, v10  }
0xf2: {  	(xrf1) =	vsort.dscd.msk.f32 $0xffff, v5, v6;
	_ =	sdelay $0xb  }
0xf3: {  	v5, v6, _ =	vpop (xrf1)  }
0xf4: {  	v5 =	vperm.xlane v5, v4  }
0xf5: {  	v6 =	vperm.xlane v6, v4;
	v7, v45, _ =	vpop (xrf1)  }
0xf6: {  	vm6 =	vge.f32 v7, v5  }
0xf7: {  	v5 =	vsel vm6, v7, v5;
	v6 =	vsel vm6, v45, v6  }
0xf8: {  	(xrf1) =	vsort.dscd.msk.f32 $0xffff, v5, v6;
	_ =	sdelay $0xd  }
0xf9: {  	v5, v6, _ =	vpop (xrf1)  }
0xfa: {  	v5 =	vmul.f32 $2.500000000e+00, v5  }
0xfb: {  	s18 =	simm.s32 $0x8418  }
0xfc: {  	s15 =	simm.s32 $0x8C98;
	[tilespmem:s18+$0xFFFFFFE8] =	vst v5  }
0xfd: {  	[tilespmem:s15+$0xFFFFFFE8] =	vst v6  }
0xfe: {  	v5 =	vld [tilespmem:s31+$0x40B0]  }
0xff: {  	v6 =	vld [tilespmem:s31+$0x40A0]  }
0x100: {  	v7 =	vld [tilespmem:s31+$0x4090];
	_ =	sdelay $0x1  }
0x101: {  	v46 =	vld [tilespmem:s31+$0x4080]  }
0x102: {  	(xrf1) =	vsort.dscd.msk.f32 $0xffff, v5, v3  }
0x103: {  	(xrf1) =	vsort.dscd.msk.f32 $0xffff, v6, v2  }
0x104: {  	(xrf1) =	vsort.dscd.msk.f32 $0xffff, v7, v1;
	_ =	sdelay $0x1  }
0x105: {  	(xrf1) =	vsort.dscd.msk.f32 $0xffff, v46, v0;
	_ =	sdelay $0x9  }
0x106: {  	v5, v6, _ =	vpop (xrf1)  }
0x107: {  	v5 =	vperm.xlane v5, v4;
	v7, v47, _ =	vpop (xrf1)  }
0x108: {  	v6 =	vperm.xlane v6, v4;
	v48, v49, _ =	vpop (xrf1)  }
0x109: {  	v9 =	vperm.xlane v48, v4;
	vm7 =	vge.f32 v7, v5  }
0x10a: {  	v10 =	vperm.xlane v49, v4;
	v5 =	vsel vm7, v7, v5;
	v6 =	vsel vm7, v47, v6;
	v7, v50, _ =	vpop (xrf1)  }
0x10b: {  	vm8 =	vge.f32 v7, v9;
	(xrf1) =	vsort.dscd.msk.f32 $0xffff, v5, v6  }
0x10c: {  	v5 =	vsel vm8, v7, v9;
	v6 =	vsel vm8, v50, v10  }
0x10d: {  	(xrf1) =	vsort.dscd.msk.f32 $0xffff, v5, v6;
	_ =	sdelay $0xb  }
0x10e: {  	v5, v6, _ =	vpop (xrf1)  }
0x10f: {  	v5 =	vperm.xlane v5, v4  }
0x110: {  	v6 =	vperm.xlane v6, v4;
	v7, v51, _ =	vpop (xrf1)  }
0x111: {  	vm9 =	vge.f32 v7, v5  }
0x112: {  	v5 =	vsel vm9, v7, v5;
	v6 =	vsel vm9, v51, v6  }
0x113: {  	(xrf1) =	vsort.dscd.msk.f32 $0xffff, v5, v6;
	_ =	sdelay $0xd  }
0x114: {  	v5, v6, _ =	vpop (xrf1)  }
0x115: {  	v5 =	vmul.f32 $2.500000000e+00, v5;
	_ =	sdelay $0x1  }
0x116: {  	[tilespmem:s18+$0xFFFFFFF0] =	vst v5  }
0x117: {  	[tilespmem:s15+$0xFFFFFFF0] =	vst v6  }
0x118: {  	v5 =	vld [tilespmem:s31+$0x4130]  }
0x119: {  	v6 =	vld [tilespmem:s31+$0x4110]  }
0x11a: {  	v7 =	vld [tilespmem:s31+$0x4120];
	_ =	sdelay $0x1  }
0x11b: {  	v52 =	vld [tilespmem:s31+$0x4100]  }
0x11c: {  	(xrf1) =	vsort.dscd.msk.f32 $0xffff, v5, v3  }
0x11d: {  	(xrf1) =	vsort.dscd.msk.f32 $0xffff, v6, v1  }
0x11e: {  	(xrf1) =	vsort.dscd.msk.f32 $0xffff, v7, v2;
	_ =	sdelay $0x1  }
0x11f: {  	(xrf1) =	vsort.dscd.msk.f32 $0xffff, v52, v0;
	_ =	sdelay $0x9  }
0x120: {  	v5, v6, _ =	vpop (xrf1)  }
0x121: {  	v5 =	vperm.xlane v5, v4;
	v7, v53, _ =	vpop (xrf1)  }
0x122: {  	v6 =	vperm.xlane v6, v4;
	v54, v55, _ =	vpop (xrf1)  }
0x123: {  	v7 =	vperm.xlane v7, v4;
	vm10 =	vge.f32 v54, v5  }
0x124: {  	v8 =	vperm.xlane v53, v4;
	v11, v12, _ =	vpop (xrf1);
	v5 =	vsel vm10, v54, v5;
	v6 =	vsel vm10, v55, v6  }
0x125: {  	vm11 =	vge.f32 v11, v7;
	(xrf1) =	vsort.dscd.msk.f32 $0xffff, v5, v6  }
0x126: {  	v5 =	vsel vm11, v11, v7;
	v6 =	vsel vm11, v12, v8  }
0x127: {  	(xrf1) =	vsort.dscd.msk.f32 $0xffff, v5, v6;
	_ =	sdelay $0xb  }
0x128: {  	v5, v6, _ =	vpop (xrf1)  }
0x129: {  	v5 =	vperm.xlane v5, v4  }
0x12a: {  	v6 =	vperm.xlane v6, v4;
	v7, v56, _ =	vpop (xrf1)  }
0x12b: {  	vm12 =	vge.f32 v7, v5  }
0x12c: {  	v5 =	vsel vm12, v7, v5;
	v6 =	vsel vm12, v56, v6  }
0x12d: {  	(xrf1) =	vsort.dscd.msk.f32 $0xffff, v5, v6;
	_ =	sdelay $0xd  }
0x12e: {  	v5, v6, _ =	vpop (xrf1)  }
0x12f: {  	v5 =	vmul.f32 $2.500000000e+00, v5;
	_ =	sdelay $0x1  }
0x130: {  	[tilespmem:s18+$0xFFFFFFF8] =	vst v5  }
0x131: {  	[tilespmem:s15+$0xFFFFFFF8] =	vst v6  }
0x132: {  	v5 =	vld [tilespmem:s31+$0x41B0]  }
0x133: {  	v6 =	vld [tilespmem:s31+$0x4190]  }
0x134: {  	v7 =	vld [tilespmem:s31+$0x41A0];
	_ =	sdelay $0x1  }
0x135: {  	v57 =	vld [tilespmem:s31+$0x4180]  }
0x136: {  	(xrf1) =	vsort.dscd.msk.f32 $0xffff, v5, v3  }
0x137: {  	(xrf1) =	vsort.dscd.msk.f32 $0xffff, v6, v1  }
0x138: {  	(xrf1) =	vsort.dscd.msk.f32 $0xffff, v7, v2;
	_ =	sdelay $0x1  }
0x139: {  	(xrf1) =	vsort.dscd.msk.f32 $0xffff, v57, v0;
	_ =	sdelay $0x9  }
0x13a: {  	v5, v6, _ =	vpop (xrf1)  }
0x13b: {  	v5 =	vperm.xlane v5, v4;
	v7, v58, _ =	vpop (xrf1)  }
0x13c: {  	v6 =	vperm.xlane v6, v4;
	v59, v60, _ =	vpop (xrf1)  }
0x13d: {  	v7 =	vperm.xlane v7, v4;
	vm13 =	vge.f32 v59, v5  }
0x13e: {  	v8 =	vperm.xlane v58, v4;
	v61, v62, _ =	vpop (xrf1);
	v5 =	vsel vm13, v59, v5;
	v6 =	vsel vm13, v60, v6  }
0x13f: {  	vm14 =	vge.f32 v61, v7;
	(xrf1) =	vsort.dscd.msk.f32 $0xffff, v5, v6  }
0x140: {  	v5 =	vsel vm14, v61, v7;
	v6 =	vsel vm14, v62, v8  }
0x141: {  	(xrf1) =	vsort.dscd.msk.f32 $0xffff, v5, v6;
	_ =	sdelay $0xb  }
0x142: {  	v5, v6, _ =	vpop (xrf1)  }
0x143: {  	v5 =	vperm.xlane v5, v4  }
0x144: {  	v6 =	vperm.xlane v6, v4;
	v7, v63, _ =	vpop (xrf1)  }
0x145: {  	vm15 =	vge.f32 v7, v5  }
0x146: {  	v5 =	vsel vm15, v7, v5;
	v6 =	vsel vm15, v63, v6  }
0x147: {  	(xrf1) =	vsort.dscd.msk.f32 $0xffff, v5, v6;
	_ =	sdelay $0xd  }
0x148: {  	v6, v5, _ =	vpop (xrf1)  }
0x149: {  	v6 =	vmul.f32 $2.500000000e+00, v6;
	_ =	sdelay $0x1  }
0x14a: {  	s17 =	simm.s32 $0x800;
	s20 =	simm.s32 $0x1000;
	s16 =	simm.s32 $0x8438;
	[tilespmem:s18+$0x0] =	vst v6  }
.LBB2_4:
0x14b: {  	s19 =	sshra.s32 s17, $0x2  }
0x14c: {  	[tilespmem:s15+$0x0] =	vst v5;
	s15 =	sadd.s32 $0x20, s15;
	s17 =	smov.u32 s20;
	s18 =	sadd.s32 $0x800, s20  }
0x14d: {  	p0 =	sne.s32 s20, $0xF800;
	v5 =	vld [tilespmem:s19+$0x4030]  }
0x14e: {  	v6 =	vld [tilespmem:s19+$0x4020]  }
0x14f: {  	v7 =	vld [tilespmem:s19+$0x4010];
	_ =	sdelay $0x1  }
0x150: {  	v8 =	vld [tilespmem:s19+$0x4000]  }
0x151: {  	(xrf1) =	vsort.dscd.msk.f32 $0xffff, v5, v3  }
0x152: {  	(xrf1) =	vsort.dscd.msk.f32 $0xffff, v6, v2  }
0x153: {  	(xrf1) =	vsort.dscd.msk.f32 $0xffff, v7, v1;
	_ =	sdelay $0x1  }
0x154: {  	(xrf1) =	vsort.dscd.msk.f32 $0xffff, v8, v0;
	_ =	sdelay $0x9  }
0x155: {  	v5, v6, _ =	vpop (xrf1)  }
0x156: {  	v5 =	vperm.xlane v5, v4;
	v7, v8, _ =	vpop (xrf1)  }
0x157: {  	v6 =	vperm.xlane v6, v4;
	v9, v10, _ =	vpop (xrf1)  }
0x158: {  	v9 =	vperm.xlane v9, v4;
	vm0 =	vge.f32 v7, v5  }
0x159: {  	v10 =	vperm.xlane v10, v4;
	v5 =	vsel vm0, v7, v5;
	v6 =	vsel vm0, v8, v6;
	v7, v8, _ =	vpop (xrf1)  }
0x15a: {  	vm0 =	vge.f32 v7, v9;
	(xrf1) =	vsort.dscd.msk.f32 $0xffff, v5, v6  }
0x15b: {  	v5 =	vsel vm0, v7, v9;
	v6 =	vsel vm0, v8, v10  }
0x15c: {  	(xrf1) =	vsort.dscd.msk.f32 $0xffff, v5, v6;
	_ =	sdelay $0xb  }
0x15d: {  	v5, v6, _ =	vpop (xrf1)  }
0x15e: {  	v5 =	vperm.xlane v5, v4  }
0x15f: {  	v6 =	vperm.xlane v6, v4;
	v7, v8, _ =	vpop (xrf1)  }
0x160: {  	vm0 =	vge.f32 v7, v5  }
0x161: {  	v5 =	vsel vm0, v7, v5;
	v6 =	vsel vm0, v8, v6  }
0x162: {  	(xrf1) =	vsort.dscd.msk.f32 $0xffff, v5, v6;
	_ =	sdelay $0xd  }
0x163: {  	v5, v6, _ =	vpop (xrf1)  }
0x164: {  	v5 =	vmul.f32 $2.500000000e+00, v5;
	_ =	sdelay $0x1  }
0x165: {  	[tilespmem:s16+$0xFFFFFFE8] =	vst v5  }
0x166: {  	[tilespmem:s15+$0xFFFFFFE8] =	vst v6  }
0x167: {  	v5 =	vld [tilespmem:s19+$0x40B0]  }
0x168: {  	v6 =	vld [tilespmem:s19+$0x40A0]  }
0x169: {  	v7 =	vld [tilespmem:s19+$0x4090];
	_ =	sdelay $0x1  }
0x16a: {  	v8 =	vld [tilespmem:s19+$0x4080]  }
0x16b: {  	(xrf1) =	vsort.dscd.msk.f32 $0xffff, v5, v3  }
0x16c: {  	(xrf1) =	vsort.dscd.msk.f32 $0xffff, v6, v2  }
0x16d: {  	(xrf1) =	vsort.dscd.msk.f32 $0xffff, v7, v1;
	_ =	sdelay $0x1  }
0x16e: {  	(xrf1) =	vsort.dscd.msk.f32 $0xffff, v8, v0;
	_ =	sdelay $0x9  }
0x16f: {  	v5, v6, _ =	vpop (xrf1)  }
0x170: {  	v5 =	vperm.xlane v5, v4;
	v7, v8, _ =	vpop (xrf1)  }
0x171: {  	v6 =	vperm.xlane v6, v4;
	v9, v10, _ =	vpop (xrf1)  }
0x172: {  	v9 =	vperm.xlane v9, v4;
	vm0 =	vge.f32 v7, v5  }
0x173: {  	v10 =	vperm.xlane v10, v4;
	v5 =	vsel vm0, v7, v5;
	v6 =	vsel vm0, v8, v6;
	v7, v8, _ =	vpop (xrf1)  }
0x174: {  	vm0 =	vge.f32 v7, v9;
	(xrf1) =	vsort.dscd.msk.f32 $0xffff, v5, v6  }
0x175: {  	v5 =	vsel vm0, v7, v9;
	v6 =	vsel vm0, v8, v10  }
0x176: {  	(xrf1) =	vsort.dscd.msk.f32 $0xffff, v5, v6;
	_ =	sdelay $0xb  }
0x177: {  	v5, v6, _ =	vpop (xrf1)  }
0x178: {  	v5 =	vperm.xlane v5, v4  }
0x179: {  	v6 =	vperm.xlane v6, v4;
	v7, v8, _ =	vpop (xrf1)  }
0x17a: {  	vm0 =	vge.f32 v7, v5  }
0x17b: {  	v5 =	vsel vm0, v7, v5;
	v6 =	vsel vm0, v8, v6  }
0x17c: {  	(xrf1) =	vsort.dscd.msk.f32 $0xffff, v5, v6;
	_ =	sdelay $0xd  }
0x17d: {  	v5, v6, _ =	vpop (xrf1)  }
0x17e: {  	v5 =	vmul.f32 $2.500000000e+00, v5;
	_ =	sdelay $0x1  }
0x17f: {  	[tilespmem:s16+$0xFFFFFFF0] =	vst v5  }
0x180: {  	[tilespmem:s15+$0xFFFFFFF0] =	vst v6  }
0x181: {  	v5 =	vld [tilespmem:s19+$0x4130]  }
0x182: {  	v6 =	vld [tilespmem:s19+$0x4110]  }
0x183: {  	v7 =	vld [tilespmem:s19+$0x4120]  }
0x184: {  	v8 =	vld [tilespmem:s19+$0x4100];
	_ =	sdelay $0x1  }
0x185: {  	(xrf1) =	vsort.dscd.msk.f32 $0xffff, v5, v3  }
0x186: {  	(xrf1) =	vsort.dscd.msk.f32 $0xffff, v6, v1  }
0x187: {  	(xrf1) =	vsort.dscd.msk.f32 $0xffff, v7, v2  }
0x188: {  	(xrf1) =	vsort.dscd.msk.f32 $0xffff, v8, v0;
	_ =	sdelay $0xa  }
0x189: {  	v5, v6, _ =	vpop (xrf1)  }
0x18a: {  	v5 =	vperm.xlane v5, v4;
	v7, v8, _ =	vpop (xrf1)  }
0x18b: {  	v6 =	vperm.xlane v6, v4;
	v7 =	vperm.xlane v7, v4;
	v9, v10, _ =	vpop (xrf1)  }
0x18c: {  	v8 =	vperm.xlane v8, v4;
	vm0 =	vge.f32 v9, v5;
	v11, v12, _ =	vpop (xrf1)  }
0x18d: {  	vm1 =	vge.f32 v11, v7;
	v5 =	vsel vm0, v9, v5;
	v6 =	vsel vm0, v10, v6  }
0x18e: {  	v7 =	vsel vm1, v11, v7;
	v8 =	vsel vm1, v12, v8;
	(xrf1) =	vsort.dscd.msk.f32 $0xffff, v5, v6;
	_ =	sdelay $0x1  }
0x18f: {  	(xrf1) =	vsort.dscd.msk.f32 $0xffff, v7, v8;
	_ =	sdelay $0xb  }
0x190: {  	v5, v6, _ =	vpop (xrf1)  }
0x191: {  	v5 =	vperm.xlane v5, v4  }
0x192: {  	v6 =	vperm.xlane v6, v4;
	v7, v8, _ =	vpop (xrf1)  }
0x193: {  	vm0 =	vge.f32 v7, v5  }
0x194: {  	v5 =	vsel vm0, v7, v5;
	v6 =	vsel vm0, v8, v6  }
0x195: {  	(xrf1) =	vsort.dscd.msk.f32 $0xffff, v5, v6;
	_ =	sdelay $0xd  }
0x196: {  	v5, v6, _ =	vpop (xrf1)  }
0x197: {  	v5 =	vmul.f32 $2.500000000e+00, v5;
	_ =	sdelay $0x1  }
0x198: {  	[tilespmem:s16+$0xFFFFFFF8] =	vst v5  }
0x199: {  	[tilespmem:s15+$0xFFFFFFF8] =	vst v6  }
0x19a: {  	v5 =	vld [tilespmem:s19+$0x41B0]  }
0x19b: {  	v6 =	vld [tilespmem:s19+$0x4190]  }
0x19c: {  	v7 =	vld [tilespmem:s19+$0x41A0]  }
0x19d: {  	v8 =	vld [tilespmem:s19+$0x4180];
	_ =	sdelay $0x1  }
0x19e: {  	(xrf1) =	vsort.dscd.msk.f32 $0xffff, v5, v3  }
0x19f: {  	(xrf1) =	vsort.dscd.msk.f32 $0xffff, v6, v1  }
0x1a0: {  	(xrf1) =	vsort.dscd.msk.f32 $0xffff, v7, v2  }
0x1a1: {  	(xrf1) =	vsort.dscd.msk.f32 $0xffff, v8, v0;
	_ =	sdelay $0xa  }
0x1a2: {  	v5, v6, _ =	vpop (xrf1)  }
0x1a3: {  	v5 =	vperm.xlane v5, v4;
	v7, v8, _ =	vpop (xrf1)  }
0x1a4: {  	v6 =	vperm.xlane v6, v4;
	v7 =	vperm.xlane v7, v4;
	v9, v10, _ =	vpop (xrf1)  }
0x1a5: {  	v8 =	vperm.xlane v8, v4;
	vm0 =	vge.f32 v9, v5;
	v11, v12, _ =	vpop (xrf1)  }
0x1a6: {  	vm1 =	vge.f32 v11, v7;
	v5 =	vsel vm0, v9, v5;
	v6 =	vsel vm0, v10, v6  }
0x1a7: {  	v7 =	vsel vm1, v11, v7;
	v8 =	vsel vm1, v12, v8;
	(xrf1) =	vsort.dscd.msk.f32 $0xffff, v5, v6;
	_ =	sdelay $0x1  }
0x1a8: {  	(xrf1) =	vsort.dscd.msk.f32 $0xffff, v7, v8;
	_ =	sdelay $0xb  }
0x1a9: {  	v5, v6, _ =	vpop (xrf1)  }
0x1aa: {  	v5 =	vperm.xlane v5, v4  }
0x1ab: {  	v6 =	vperm.xlane v6, v4;
	v7, v8, _ =	vpop (xrf1)  }
0x1ac: {  	vm0 =	vge.f32 v7, v5  }
0x1ad: {  	v5 =	vsel vm0, v7, v5;
	v6 =	vsel vm0, v8, v6  }
0x1ae: {  	(xrf1) =	vsort.dscd.msk.f32 $0xffff, v5, v6;
	_ =	sdelay $0xc  }
.Ltmp1:
0x1af: {  	(pc) =	sbr.rel @p0 .LBB2_4-.Ltmp1, $3  }
0x1b0: {  	v6, v5, _ =	vpop (xrf1)  }
0x1b1: {  	v6 =	vmul.f32 $2.500000000e+00, v6;
	_ =	sdelay $0x1  }
0x1b2: {  	s20 =	smov.u32 s18;
	[tilespmem:s16+$0x0] =	vst v6;
	s16 =	sadd.s32 $0x20, s16  }
0x1b3: {  	s17 =	sshra.s32 s17, $0x2;
	[tilespmem:s15+$0x0] =	vst v5  }
0x1b4: {  	v5 =	vld [tilespmem:s17+$0x4030]  }
0x1b5: {  	v6 =	vld [tilespmem:s17+$0x4020]  }
0x1b6: {  	v7 =	vld [tilespmem:s17+$0x4010];
	_ =	sdelay $0x1  }
0x1b7: {  	v8 =	vld [tilespmem:s17+$0x4000]  }
0x1b8: {  	(xrf1) =	vsort.dscd.msk.f32 $0xffff, v5, v3  }
0x1b9: {  	(xrf1) =	vsort.dscd.msk.f32 $0xffff, v6, v2  }
0x1ba: {  	(xrf1) =	vsort.dscd.msk.f32 $0xffff, v7, v1;
	_ =	sdelay $0x1  }
0x1bb: {  	(xrf1) =	vsort.dscd.msk.f32 $0xffff, v8, v0;
	_ =	sdelay $0x9  }
0x1bc: {  	v5, v6, _ =	vpop (xrf1)  }
0x1bd: {  	v5 =	vperm.xlane v5, v4;
	v7, v43, _ =	vpop (xrf1)  }
0x1be: {  	v6 =	vperm.xlane v6, v4;
	v9, v10, _ =	vpop (xrf1)  }
0x1bf: {  	v9 =	vperm.xlane v9, v4;
	vm0 =	vge.f32 v7, v5  }
0x1c0: {  	v10 =	vperm.xlane v10, v4;
	v5 =	vsel vm0, v7, v5;
	v6 =	vsel vm0, v43, v6;
	v7, v44, _ =	vpop (xrf1)  }
0x1c1: {  	vm5 =	vge.f32 v7, v9;
	(xrf1) =	vsort.dscd.msk.f32 $0xffff, v5, v6  }
0x1c2: {  	v5 =	vsel vm5, v7, v9;
	v6 =	vsel vm5, v44, v10  }
0x1c3: {  	(xrf1) =	vsort.dscd.msk.f32 $0xffff, v5, v6;
	_ =	sdelay $0xb  }
0x1c4: {  	v5, v6, _ =	vpop (xrf1)  }
0x1c5: {  	v5 =	vperm.xlane v5, v4  }
0x1c6: {  	v6 =	vperm.xlane v6, v4;
	v7, v45, _ =	vpop (xrf1)  }
0x1c7: {  	vm6 =	vge.f32 v7, v5  }
0x1c8: {  	v5 =	vsel vm6, v7, v5;
	v6 =	vsel vm6, v45, v6  }
0x1c9: {  	(xrf1) =	vsort.dscd.msk.f32 $0xffff, v5, v6;
	_ =	sdelay $0xd  }
0x1ca: {  	v5, v6, _ =	vpop (xrf1)  }
0x1cb: {  	v5 =	vmul.f32 $2.500000000e+00, v5;
	_ =	sdelay $0x1  }
0x1cc: {  	s31 =	sadd.s32 $0x20, s15;
	[tilespmem:s16+$0xFFFFFFE8] =	vst v5  }
0x1cd: {  	[tilespmem:s31+$0xFFFFFFE8] =	vst v6  }
0x1ce: {  	v5 =	vld [tilespmem:s17+$0x40B0]  }
0x1cf: {  	v6 =	vld [tilespmem:s17+$0x40A0]  }
0x1d0: {  	v7 =	vld [tilespmem:s17+$0x4090];
	_ =	sdelay $0x1  }
0x1d1: {  	v46 =	vld [tilespmem:s17+$0x4080]  }
0x1d2: {  	(xrf1) =	vsort.dscd.msk.f32 $0xffff, v5, v3  }
0x1d3: {  	(xrf1) =	vsort.dscd.msk.f32 $0xffff, v6, v2  }
0x1d4: {  	(xrf1) =	vsort.dscd.msk.f32 $0xffff, v7, v1;
	_ =	sdelay $0x1  }
0x1d5: {  	(xrf1) =	vsort.dscd.msk.f32 $0xffff, v46, v0;
	_ =	sdelay $0x9  }
0x1d6: {  	v5, v6, _ =	vpop (xrf1)  }
0x1d7: {  	v5 =	vperm.xlane v5, v4;
	v7, v47, _ =	vpop (xrf1)  }
0x1d8: {  	v6 =	vperm.xlane v6, v4;
	v48, v49, _ =	vpop (xrf1)  }
0x1d9: {  	v9 =	vperm.xlane v48, v4;
	vm7 =	vge.f32 v7, v5  }
0x1da: {  	v10 =	vperm.xlane v49, v4;
	v5 =	vsel vm7, v7, v5;
	v6 =	vsel vm7, v47, v6;
	v7, v50, _ =	vpop (xrf1)  }
0x1db: {  	vm8 =	vge.f32 v7, v9;
	(xrf1) =	vsort.dscd.msk.f32 $0xffff, v5, v6  }
0x1dc: {  	v5 =	vsel vm8, v7, v9;
	v6 =	vsel vm8, v50, v10  }
0x1dd: {  	(xrf1) =	vsort.dscd.msk.f32 $0xffff, v5, v6;
	_ =	sdelay $0xb  }
0x1de: {  	v5, v6, _ =	vpop (xrf1)  }
0x1df: {  	v5 =	vperm.xlane v5, v4  }
0x1e0: {  	v6 =	vperm.xlane v6, v4;
	v7, v51, _ =	vpop (xrf1)  }
0x1e1: {  	vm9 =	vge.f32 v7, v5  }
0x1e2: {  	v5 =	vsel vm9, v7, v5;
	v6 =	vsel vm9, v51, v6  }
0x1e3: {  	(xrf1) =	vsort.dscd.msk.f32 $0xffff, v5, v6;
	_ =	sdelay $0xd  }
0x1e4: {  	v5, v6, _ =	vpop (xrf1)  }
0x1e5: {  	v5 =	vmul.f32 $2.500000000e+00, v5;
	_ =	sdelay $0x1  }
0x1e6: {  	[tilespmem:s16+$0xFFFFFFF0] =	vst v5  }
0x1e7: {  	[tilespmem:s31+$0xFFFFFFF0] =	vst v6  }
0x1e8: {  	v5 =	vld [tilespmem:s17+$0x4130]  }
0x1e9: {  	v6 =	vld [tilespmem:s17+$0x4110]  }
0x1ea: {  	v7 =	vld [tilespmem:s17+$0x4120];
	_ =	sdelay $0x1  }
0x1eb: {  	v52 =	vld [tilespmem:s17+$0x4100]  }
0x1ec: {  	(xrf1) =	vsort.dscd.msk.f32 $0xffff, v5, v3  }
0x1ed: {  	(xrf1) =	vsort.dscd.msk.f32 $0xffff, v6, v1  }
0x1ee: {  	(xrf1) =	vsort.dscd.msk.f32 $0xffff, v7, v2;
	_ =	sdelay $0x1  }
0x1ef: {  	(xrf1) =	vsort.dscd.msk.f32 $0xffff, v52, v0;
	_ =	sdelay $0x9  }
0x1f0: {  	v5, v6, _ =	vpop (xrf1)  }
0x1f1: {  	v5 =	vperm.xlane v5, v4;
	v7, v53, _ =	vpop (xrf1)  }
0x1f2: {  	v6 =	vperm.xlane v6, v4;
	v54, v55, _ =	vpop (xrf1)  }
0x1f3: {  	v7 =	vperm.xlane v7, v4;
	vm10 =	vge.f32 v54, v5  }
0x1f4: {  	v8 =	vperm.xlane v53, v4;
	v11, v12, _ =	vpop (xrf1);
	v5 =	vsel vm10, v54, v5;
	v6 =	vsel vm10, v55, v6  }
0x1f5: {  	vm11 =	vge.f32 v11, v7;
	(xrf1) =	vsort.dscd.msk.f32 $0xffff, v5, v6  }
0x1f6: {  	v5 =	vsel vm11, v11, v7;
	v6 =	vsel vm11, v12, v8  }
0x1f7: {  	(xrf1) =	vsort.dscd.msk.f32 $0xffff, v5, v6;
	_ =	sdelay $0xb  }
0x1f8: {  	v5, v6, _ =	vpop (xrf1)  }
0x1f9: {  	v5 =	vperm.xlane v5, v4  }
0x1fa: {  	v6 =	vperm.xlane v6, v4;
	v7, v56, _ =	vpop (xrf1)  }
0x1fb: {  	vm12 =	vge.f32 v7, v5  }
0x1fc: {  	v5 =	vsel vm12, v7, v5;
	v6 =	vsel vm12, v56, v6  }
0x1fd: {  	(xrf1) =	vsort.dscd.msk.f32 $0xffff, v5, v6;
	_ =	sdelay $0xd  }
0x1fe: {  	v5, v6, _ =	vpop (xrf1)  }
0x1ff: {  	v5 =	vmul.f32 $2.500000000e+00, v5;
	_ =	sdelay $0x1  }
0x200: {  	[tilespmem:s16+$0xFFFFFFF8] =	vst v5  }
0x201: {  	[tilespmem:s31+$0xFFFFFFF8] =	vst v6  }
0x202: {  	v5 =	vld [tilespmem:s17+$0x41B0]  }
0x203: {  	v6 =	vld [tilespmem:s17+$0x4190]  }
0x204: {  	v7 =	vld [tilespmem:s17+$0x41A0];
	_ =	sdelay $0x1  }
0x205: {  	v57 =	vld [tilespmem:s17+$0x4180]  }
0x206: {  	(xrf1) =	vsort.dscd.msk.f32 $0xffff, v5, v3  }
0x207: {  	(xrf1) =	vsort.dscd.msk.f32 $0xffff, v6, v1  }
0x208: {  	(xrf1) =	vsort.dscd.msk.f32 $0xffff, v7, v2;
	_ =	sdelay $0x1  }
0x209: {  	(xrf1) =	vsort.dscd.msk.f32 $0xffff, v57, v0;
	_ =	sdelay $0x9  }
0x20a: {  	v5, v6, _ =	vpop (xrf1)  }
0x20b: {  	v5 =	vperm.xlane v5, v4;
	v7, v58, _ =	vpop (xrf1)  }
0x20c: {  	v6 =	vperm.xlane v6, v4;
	v59, v60, _ =	vpop (xrf1)  }
0x20d: {  	v7 =	vperm.xlane v7, v4;
	vm13 =	vge.f32 v59, v5  }
0x20e: {  	v8 =	vperm.xlane v58, v4;
	v61, v62, _ =	vpop (xrf1);
	v5 =	vsel vm13, v59, v5;
	v6 =	vsel vm13, v60, v6  }
0x20f: {  	vm14 =	vge.f32 v61, v7;
	(xrf1) =	vsort.dscd.msk.f32 $0xffff, v5, v6  }
0x210: {  	v5 =	vsel vm14, v61, v7;
	v6 =	vsel vm14, v62, v8  }
0x211: {  	(xrf1) =	vsort.dscd.msk.f32 $0xffff, v5, v6;
	_ =	sdelay $0xb  }
0x212: {  	v5, v6, _ =	vpop (xrf1)  }
0x213: {  	v5 =	vperm.xlane v5, v4  }
0x214: {  	v6 =	vperm.xlane v6, v4;
	v7, v63, _ =	vpop (xrf1)  }
0x215: {  	vm15 =	vge.f32 v7, v5  }
0x216: {  	v5 =	vsel vm15, v7, v5;
	v6 =	vsel vm15, v63, v6  }
0x217: {  	(xrf1) =	vsort.dscd.msk.f32 $0xffff, v5, v6;
	_ =	sdelay $0xd  }
0x218: {  	v5, v6, _ =	vpop (xrf1)  }
0x219: {  	v5 =	vmul.f32 $2.500000000e+00, v5;
	_ =	sdelay $0x1  }
0x21a: {  	[tilespmem:s16+$0x0] =	vst v5  }
0x21b: {  	[tilespmem:s31+$0x0] =	vst v6  }
0x21c: {  	[hbm4b:s5+s2] =	stream.linear.scatter [tilespmem:s11], [sflag:$0x3], $0x800, $0x38;
	[tilespmem:$0x9100] =	vst v63  }
0x21d: {  	s14 =	sadd.s32 $0x1, s14;
	_ =	swait.ge [sflag:s12], $0x800  }
0x21e: {  	p0 =	sne.s32 s14, s7;
	[sflag:s12] =	ssyncset.done $0x0  }
.Ltmp2:
0x21f: {  	[sflag:s12] =	ssyncadd.s32 $0xFFFFF800;
	(pc) =	sbr.rel @p0 .LBB2_1-.Ltmp2, $4  }
0x220: {  	[hbm4b:s6+s2] =	stream.linear.scatter [tilespmem:s13], [sflag:$0x3], $0x800, $0x38;
	[tilespmem:$0x9100] =	vst v63  }
0x221: {  	_ =	swait.ge [sflag:s12], $0x800  }
0x222: {  	[sflag:s12] =	ssyncset.done $0x0  }
0x223: {  	[sflag:s12] =	ssyncadd.s32 $0xFFFFF800  }
0x224: {  	_ =	sfence.sel $0x180000  }
0x225: {  	[bflag:$0x0] =	sbarrier.arrive $0xFFFF  }
0x226: {  	p0 =	sne.s32 s1, $0x0;
	_ =	strace $0x90000047  }
0x227: {  	s0 =	sadd.s32 @!p0 $0x100000, s0;
	[bflag:$0x2] =	sbarrier.arrive $0xFFFF  }
0x228: {  	[sflag:s0] =	ssyncadd.tile.s32 @!p0 $0x1;
	_ =	shalt  }
.Lfunc_end2:
_tile_overlayer_lowered:
.L_overlay_start_2:
0x229: {  	(tag) =	ssettag $0x2  }
0x22a: {  	s0 =	rddreg [dreg:$0x0];
	s2 =	stileid.u32  }
0x22b: {  	s1 =	rddreg [dreg:$0x1];
	p0 =	sne.s32 s2, $0x0  }
0x22c: {  	s3 =	rddreg [dreg:$0x2];
	[bflag:$0x3] =	sbarrier.arrive $0xFFFF;
	s2 =	simm.s32 @!p0 $0x1C03  }
0x22d: {  	[timem:s3], [sflag:s2] =	dma.local @!p0 [hbm:s0], s1  }
0x22e: {  	s0 =	simm.s32 @!p0 $0x3  }
0x22f: {  	_ =	swait.ge @!p0 [sflag:s0], s1  }
0x230: {  	s1 =	ssub.s32 @!p0 $0x0, s1;
	[sflag:s0] =	ssyncset.done @!p0 $0x0  }
0x231: {  	[sflag:s0] =	ssyncadd.s32 @!p0 s1  }
0x232: {  	[bflag:$0x3] =	sbarrier.arrive $0xFFFF  }
0x233: {  	_ =	shalt  }

</sc_bundles>
